<compile_context>
chip_gen: v7x
topology: tpu7x:2x2x1
jax: 0.10.2.dev20260603
libtpu: 0.0.44.dev20260713+nightly
codegen_flags: <defaults>
</compile_context>

<pallas_src>
import functools

import jax
import jax.numpy as jnp
from jax import lax
from jax.experimental import pallas as pl
from jax.experimental.pallas import tpu as pltpu
from jax.experimental.pallas import tpu_sc as plsc

_W = 256
_L = 16
_NC, _NS = 2, 16
_NW = _NC * _NS


@functools.lru_cache(maxsize=None)
def _build_sc_call(B, P):
    assert B % _NW == 0
    assert P % 128 == 0
    spw = B // _NW
    chunks = P // _L
    rows = 2 * P // 128

    mesh = plsc.VectorSubcoreMesh(core_axis_name="c", subcore_axis_name="s")

    @functools.partial(
        pl.kernel,
        out_type=jax.ShapeDtypeStruct((_NW, _L), jnp.float32),
        mesh=mesh,
        compiler_params=pltpu.CompilerParams(needs_layout_passes=False),
        scratch_types=[
            pltpu.VMEM((2 * _W, 128), jnp.float32),
            pltpu.VMEM((rows, 128), jnp.float32),
            pltpu.VMEM((rows, 128), jnp.float32),
            pltpu.VMEM((_L,), jnp.float32),
            pltpu.SemaphoreType.DMA,
            pltpu.SemaphoreType.DMA,
            pltpu.SemaphoreType.DMA,
        ],
    )
    def sc_call(y_hbm, d_hbm, out_hbm, dv, ya, yb, acc_v, sem_d, sem_d2, sem_y):
        wid = lax.axis_index("s") * _NC + lax.axis_index("c")
        base = wid * spw
        half = _W

        def start_map(s):
            pltpu.async_copy(d_hbm.at[s, pl.ds(0, half)],
                             dv.at[pl.ds(0, half)], sem_d)
            pltpu.async_copy(d_hbm.at[s, pl.ds(half, half)],
                             dv.at[pl.ds(half, half)], sem_d2)

        def wait_map(s):
            pltpu.make_async_copy(d_hbm.at[s, pl.ds(0, half)],
                                  dv.at[pl.ds(0, half)], sem_d).wait()
            pltpu.make_async_copy(d_hbm.at[s, pl.ds(half, half)],
                                  dv.at[pl.ds(half, half)], sem_d2).wait()

        def sample_loss(yv, carry):
            @plsc.parallel_loop(0, chunks, unroll=8, carry=carry)
            def loop_acc(i, c):
                a_sq, a_g = c
                row = 2 * (i // 8)
                col = _L * (i % 8)
                x = yv[row, pl.ds(col, _L)]
                y = yv[row + 1, pl.ds(col, _L)]
                ci = (x * 256.0).astype(jnp.int32)
                ri = (y * 256.0).astype(jnp.int32)
                q = ri + (ri & ~7) + ((ci & 128) >> 4)
                l = ci & 127
                g = plsc.load_gather(dv, [q, l])
                return a_sq + g * g, a_g + g

            return loop_acc

        start_map(base)
        pltpu.async_copy(y_hbm.at[base], ya, sem_y)

        def pair_body(j, carry):
            e = base + 2 * j
            wait_map(e)
            pltpu.make_async_copy(y_hbm.at[e], ya, sem_y).wait()
            pltpu.async_copy(y_hbm.at[e + 1], yb, sem_y)
            carry = sample_loss(ya, carry)
            start_map(e + 1)
            wait_map(e + 1)
            pltpu.make_async_copy(y_hbm.at[e + 1], yb, sem_y).wait()

            @pl.when(j < spw // 2 - 1)
            def _():
                pltpu.async_copy(y_hbm.at[e + 2], ya, sem_y)

            carry = sample_loss(yb, carry)

            @pl.when(j < spw // 2 - 1)
            def _():
                start_map(e + 2)

            return carry

        zero = jnp.zeros((_L,), jnp.float32)
        ssq, sg = lax.fori_loop(0, spw // 2, pair_body, (zero, zero))

        npts = float(spw * chunks)
        acc_v[...] = 262144.0 * ssq - 260096.0 * sg + npts * 64516.0
        pltpu.sync_copy(acc_v, out_hbm.at[wid])

    return sc_call


def kernel(y_pred, distance_maps):
    B, P = y_pred.shape[0], y_pred.shape[1]
    y3 = (y_pred.reshape(B, P // 128, 128, 2)
          .transpose(0, 1, 3, 2)
          .reshape(B, 2 * P // 128, 128))
    d3 = (distance_maps.reshape(B, _W // 8, 8, 2, 128)
          .transpose(0, 1, 3, 2, 4)
          .reshape(B, 2 * _W, 128))
    partial = _build_sc_call(B, P)(y3, d3)
    return jnp.sum(partial) * (1.0 / (B * P))

# --- scband reference (transcript-rebuilt; emitter-appended) ---
"""Pipeline reference for scband-lccloss-layer-24163486008132 (READ-ONLY COPY).

The authoritative reference and input builder live on the scoring server;
editing this copy changes nothing except your own understanding.
"""

import jax, jax.numpy as jnp
import numpy as np


def setup_inputs(seed: int = 0) -> dict:
    key = jax.random.key(seed)
    k1, k2 = jax.random.split(key)
    # predicted (x, y) coordinates normalized to [0, 1)
    y_pred = jax.random.uniform(k1, (128, 8192, 2), dtype=jnp.float32)
    # normalized distance maps in [0, 1), width = 256 (hardcoded in original module)
    distance_maps = jax.random.uniform(k2, (128, 256, 256), dtype=jnp.float32)
    return {"y_pred": y_pred, "distance_maps": distance_maps}


def reference(y_pred, distance_maps):
    # Faithful vectorized translation of lcc_loss (the TF loop over batch is
    # replaced by batched ops; math is identical per sample).
    width = 256
    # distance_map = distance_maps[i] * 256; cast to float32 (already float)
    normalized_distance_map = (distance_maps * 256.0).astype(jnp.float32)
    original_distance_map = (normalized_distance_map - 127.0) * 256.0 / 128.0
    # y_pred_i = y_pred[i] * 256, cast to int32, reshape to [-1, 2]
    y_pred_scaled = y_pred * 256.0
    y_pred_int = y_pred_scaled.astype(jnp.int32)
    B = y_pred_int.shape[0]
    y_pred_int = y_pred_int.reshape(B, -1, 2)
    flat_indices = y_pred_int[:, :, 0] + y_pred_int[:, :, 1] * width
    flat_indices = jnp.clip(flat_indices, 0, width * width - 1)
    flat_distance_map = original_distance_map.reshape(B, -1)
    # tf.gather per sample -> batched take_along_axis
    interpolated_distances = jnp.take_along_axis(flat_distance_map, flat_indices, axis=1)
    lcc_loss_per_sample = jnp.mean(jnp.square(interpolated_distances), axis=1)
    loss = jnp.mean(lcc_loss_per_sample)
    return loss

if __name__ == "__main__":
    import jax
    _d = setup_inputs()
    print(jax.jit(kernel)(*tuple(_d.values())))

</pallas_src>

<mosaic_0001>
#map = affine_map<(d0, d1) -> (0, 0, 0)>
#map1 = affine_map<(d0, d1) -> (0, 0)>
module attributes {stable_mosaic.version = 14 : i64} {
  func.func @sc_call(%arg0: i32, %arg1: i32, %arg2: memref<128x128x128xf32, #tpu.memory_space<hbm>>, %arg3: memref<128x512x128xf32, #tpu.memory_space<hbm>>, %arg4: memref<32x16xf32, #tpu.memory_space<hbm>>, %arg5: memref<512x128xf32, #tpu.memory_space<vmem>>, %arg6: memref<128x128xf32, #tpu.memory_space<vmem>>, %arg7: memref<128x128xf32, #tpu.memory_space<vmem>>, %arg8: memref<16xf32, #tpu.memory_space<vmem>>, %arg9: memref<!tpu.dma_semaphore, #tpu.memory_space<semaphore_mem>>, %arg10: memref<!tpu.dma_semaphore, #tpu.memory_space<semaphore_mem>>, %arg11: memref<!tpu.dma_semaphore, #tpu.memory_space<semaphore_mem>>) attributes {dimension_semantics = [#tpu.dimension_semantics<core_parallel>, #tpu.dimension_semantics<subcore_parallel>], iteration_bounds = array<i64: 2, 16>, scalar_prefetch = 0 : i64, scratch_operands = 7 : i64, tpu.core_type = #tpu.core_type<sc_vector_subcore>, window_params = [{transform_indices = #map}, {transform_indices = #map}, {transform_indices = #map1}]} {
    %mul3A = arith.constant 2 : i32
    %mul3A_0 = arith.muli %arg1, %mul3A : i32
    %add3A = arith.addi %mul3A_0, %arg0 : i32
    %mul3A_1 = arith.constant 4 : i32
    %mul3A_2 = arith.muli %add3A, %mul3A_1 : i32
    %dma_start3A = arith.constant 0 : i32
    %dma_start3A_3 = arith.constant 0 : i32
    %dma_start3A_4 = tpu.memref_slice %arg5[%dma_start3A, %dma_start3A_3] : memref<512x128xf32, #tpu.memory_space<vmem>> -> memref<256x128xf32, #tpu.memory_space<vmem>>
    %dma_start3A_5 = arith.constant 0 : i32
    %dma_start3A_6 = arith.constant 0 : i32
    %dma_start3A_7 = tpu.memref_slice %arg3[%mul3A_2, %dma_start3A_5, %dma_start3A_6] : memref<128x512x128xf32, #tpu.memory_space<hbm>> -> memref<1x256x128xf32, #tpu.memory_space<hbm>>
    %dma_start3A_8 = tpu.memref_squeeze %dma_start3A_7 : memref<1x256x128xf32, #tpu.memory_space<hbm>> -> memref<256x128xf32, #tpu.memory_space<hbm>>
    %dma_start3A_9 = arith.constant 0 : i32
    %dma_start3A_10 = arith.constant 0 : i32
    %dma_start3A_11 = tpu.memref_slice %arg5[%dma_start3A_9, %dma_start3A_10] : memref<512x128xf32, #tpu.memory_space<vmem>> -> memref<256x128xf32, #tpu.memory_space<vmem>>
    %dma_start3A_12 = arith.constant 0 : i32
    %dma_start3A_13 = arith.constant 0 : i32
    %dma_start3A_14 = tpu.memref_slice %arg3[%mul3A_2, %dma_start3A_12, %dma_start3A_13] : memref<128x512x128xf32, #tpu.memory_space<hbm>> -> memref<1x256x128xf32, #tpu.memory_space<hbm>>
    %dma_start3A_15 = tpu.memref_squeeze %dma_start3A_14 : memref<1x256x128xf32, #tpu.memory_space<hbm>> -> memref<256x128xf32, #tpu.memory_space<hbm>>
    tpu.enqueue_dma source(%dma_start3A_15 : memref<256x128xf32, #tpu.memory_space<hbm>>) target(%dma_start3A_11 : memref<256x128xf32, #tpu.memory_space<vmem>>) target_semaphore(%arg9 : memref<!tpu.dma_semaphore, #tpu.memory_space<semaphore_mem>>)
    %dma_start3A_16 = arith.constant 256 : i32
    %dma_start3A_17 = arith.constant 0 : i32
    %dma_start3A_18 = tpu.memref_slice %arg5[%dma_start3A_16, %dma_start3A_17] : memref<512x128xf32, #tpu.memory_space<vmem>> -> memref<256x128xf32, #tpu.memory_space<vmem>>
    %dma_start3A_19 = arith.constant 256 : i32
    %dma_start3A_20 = arith.constant 0 : i32
    %dma_start3A_21 = tpu.memref_slice %arg3[%mul3A_2, %dma_start3A_19, %dma_start3A_20] : memref<128x512x128xf32, #tpu.memory_space<hbm>> -> memref<1x256x128xf32, #tpu.memory_space<hbm>>
    %dma_start3A_22 = tpu.memref_squeeze %dma_start3A_21 : memref<1x256x128xf32, #tpu.memory_space<hbm>> -> memref<256x128xf32, #tpu.memory_space<hbm>>
    %dma_start3A_23 = arith.constant 256 : i32
    %dma_start3A_24 = arith.constant 0 : i32
    %dma_start3A_25 = tpu.memref_slice %arg5[%dma_start3A_23, %dma_start3A_24] : memref<512x128xf32, #tpu.memory_space<vmem>> -> memref<256x128xf32, #tpu.memory_space<vmem>>
    %dma_start3A_26 = arith.constant 256 : i32
    %dma_start3A_27 = arith.constant 0 : i32
    %dma_start3A_28 = tpu.memref_slice %arg3[%mul3A_2, %dma_start3A_26, %dma_start3A_27] : memref<128x512x128xf32, #tpu.memory_space<hbm>> -> memref<1x256x128xf32, #tpu.memory_space<hbm>>
    %dma_start3A_29 = tpu.memref_squeeze %dma_start3A_28 : memref<1x256x128xf32, #tpu.memory_space<hbm>> -> memref<256x128xf32, #tpu.memory_space<hbm>>
    tpu.enqueue_dma source(%dma_start3A_29 : memref<256x128xf32, #tpu.memory_space<hbm>>) target(%dma_start3A_25 : memref<256x128xf32, #tpu.memory_space<vmem>>) target_semaphore(%arg10 : memref<!tpu.dma_semaphore, #tpu.memory_space<semaphore_mem>>)
    %dma_start3A_30 = arith.constant 0 : i32
    %dma_start3A_31 = arith.constant 0 : i32
    %dma_start3A_32 = tpu.memref_slice %arg2[%mul3A_2, %dma_start3A_30, %dma_start3A_31] : memref<128x128x128xf32, #tpu.memory_space<hbm>> -> memref<1x128x128xf32, #tpu.memory_space<hbm>>
    %dma_start3A_33 = tpu.memref_squeeze %dma_start3A_32 : memref<1x128x128xf32, #tpu.memory_space<hbm>> -> memref<128x128xf32, #tpu.memory_space<hbm>>
    %dma_start3A_34 = arith.constant 0 : i32
    %dma_start3A_35 = arith.constant 0 : i32
    %dma_start3A_36 = tpu.memref_slice %arg2[%mul3A_2, %dma_start3A_34, %dma_start3A_35] : memref<128x128x128xf32, #tpu.memory_space<hbm>> -> memref<1x128x128xf32, #tpu.memory_space<hbm>>
    %dma_start3A_37 = tpu.memref_squeeze %dma_start3A_36 : memref<1x128x128xf32, #tpu.memory_space<hbm>> -> memref<128x128xf32, #tpu.memory_space<hbm>>
    tpu.enqueue_dma source(%dma_start3A_37 : memref<128x128xf32, #tpu.memory_space<hbm>>) target(%arg6 : memref<128x128xf32, #tpu.memory_space<vmem>>) target_semaphore(%arg11 : memref<!tpu.dma_semaphore, #tpu.memory_space<semaphore_mem>>)
    %broadcast_in_dim3A = arith.constant 0.000000e+00 : f32
    %broadcast_in_dim3A_38 = vector.broadcast %broadcast_in_dim3A : f32 to vector<16xf32>
    %scan3A = arith.constant 0 : i32
    %scan3A_39 = arith.constant 2 : i32
    %scan3A_40 = arith.addi %scan3A, %scan3A_39 : i32
    %scan3A_41 = arith.constant 1 : i32
    %scan3A_42:2 = scf.for %scan3A_54 = %scan3A to %scan3A_40 step %scan3A_41 iter_args(%scan3A_55 = %broadcast_in_dim3A_38, %scan3A_56 = %broadcast_in_dim3A_38) -> (vector<16xf32>, vector<16xf32>)  : i32 {
      %mul3A_57 = arith.constant 2 : i32
      %mul3A_58 = arith.muli %mul3A_57, %scan3A_54 : i32
      %add3A_59 = arith.addi %mul3A_2, %mul3A_58 : i32
      %dma_wait3A = arith.constant 0 : i32
      %dma_wait3A_60 = arith.constant 0 : i32
      %dma_wait3A_61 = tpu.memref_slice %arg5[%dma_wait3A, %dma_wait3A_60] : memref<512x128xf32, #tpu.memory_space<vmem>> -> memref<256x128xf32, #tpu.memory_space<vmem>>
      %dma_wait3A_62 = arith.constant 0 : i32
      %dma_wait3A_63 = arith.constant 0 : i32
      %dma_wait3A_64 = tpu.memref_slice %arg3[%add3A_59, %dma_wait3A_62, %dma_wait3A_63] : memref<128x512x128xf32, #tpu.memory_space<hbm>> -> memref<1x256x128xf32, #tpu.memory_space<hbm>>
      %dma_wait3A_65 = tpu.memref_squeeze %dma_wait3A_64 : memref<1x256x128xf32, #tpu.memory_space<hbm>> -> memref<256x128xf32, #tpu.memory_space<hbm>>
      %dma_wait3A_66 = arith.constant 0 : i32
      %dma_wait3A_67 = arith.constant 0 : i32
      %dma_wait3A_68 = tpu.memref_slice %arg5[%dma_wait3A_66, %dma_wait3A_67] : memref<512x128xf32, #tpu.memory_space<vmem>> -> memref<256x128xf32, #tpu.memory_space<vmem>>
      %dma_wait3A_69 = arith.constant 0 : i32
      %dma_wait3A_70 = arith.constant 0 : i32
      %dma_wait3A_71 = tpu.memref_slice %arg3[%add3A_59, %dma_wait3A_69, %dma_wait3A_70] : memref<128x512x128xf32, #tpu.memory_space<hbm>> -> memref<1x256x128xf32, #tpu.memory_space<hbm>>
      %dma_wait3A_72 = tpu.memref_squeeze %dma_wait3A_71 : memref<1x256x128xf32, #tpu.memory_space<hbm>> -> memref<256x128xf32, #tpu.memory_space<hbm>>
      tpu.wait_dma2 semaphore(%arg9 : memref<!tpu.dma_semaphore, #tpu.memory_space<semaphore_mem>>) src(%dma_wait3A_72 : memref<256x128xf32, #tpu.memory_space<hbm>>) dst(%dma_wait3A_68 : memref<256x128xf32, #tpu.memory_space<vmem>>)
      %dma_wait3A_73 = arith.constant 256 : i32
      %dma_wait3A_74 = arith.constant 0 : i32
      %dma_wait3A_75 = tpu.memref_slice %arg5[%dma_wait3A_73, %dma_wait3A_74] : memref<512x128xf32, #tpu.memory_space<vmem>> -> memref<256x128xf32, #tpu.memory_space<vmem>>
      %dma_wait3A_76 = arith.constant 256 : i32
      %dma_wait3A_77 = arith.constant 0 : i32
      %dma_wait3A_78 = tpu.memref_slice %arg3[%add3A_59, %dma_wait3A_76, %dma_wait3A_77] : memref<128x512x128xf32, #tpu.memory_space<hbm>> -> memref<1x256x128xf32, #tpu.memory_space<hbm>>
      %dma_wait3A_79 = tpu.memref_squeeze %dma_wait3A_78 : memref<1x256x128xf32, #tpu.memory_space<hbm>> -> memref<256x128xf32, #tpu.memory_space<hbm>>
      %dma_wait3A_80 = arith.constant 256 : i32
      %dma_wait3A_81 = arith.constant 0 : i32
      %dma_wait3A_82 = tpu.memref_slice %arg5[%dma_wait3A_80, %dma_wait3A_81] : memref<512x128xf32, #tpu.memory_space<vmem>> -> memref<256x128xf32, #tpu.memory_space<vmem>>
      %dma_wait3A_83 = arith.constant 256 : i32
      %dma_wait3A_84 = arith.constant 0 : i32
      %dma_wait3A_85 = tpu.memref_slice %arg3[%add3A_59, %dma_wait3A_83, %dma_wait3A_84] : memref<128x512x128xf32, #tpu.memory_space<hbm>> -> memref<1x256x128xf32, #tpu.memory_space<hbm>>
      %dma_wait3A_86 = tpu.memref_squeeze %dma_wait3A_85 : memref<1x256x128xf32, #tpu.memory_space<hbm>> -> memref<256x128xf32, #tpu.memory_space<hbm>>
      tpu.wait_dma2 semaphore(%arg10 : memref<!tpu.dma_semaphore, #tpu.memory_space<semaphore_mem>>) src(%dma_wait3A_86 : memref<256x128xf32, #tpu.memory_space<hbm>>) dst(%dma_wait3A_82 : memref<256x128xf32, #tpu.memory_space<vmem>>)
      %dma_wait3A_87 = arith.constant 0 : i32
      %dma_wait3A_88 = arith.constant 0 : i32
      %dma_wait3A_89 = tpu.memref_slice %arg2[%add3A_59, %dma_wait3A_87, %dma_wait3A_88] : memref<128x128x128xf32, #tpu.memory_space<hbm>> -> memref<1x128x128xf32, #tpu.memory_space<hbm>>
      %dma_wait3A_90 = tpu.memref_squeeze %dma_wait3A_89 : memref<1x128x128xf32, #tpu.memory_space<hbm>> -> memref<128x128xf32, #tpu.memory_space<hbm>>
      %dma_wait3A_91 = arith.constant 0 : i32
      %dma_wait3A_92 = arith.constant 0 : i32
      %dma_wait3A_93 = tpu.memref_slice %arg2[%add3A_59, %dma_wait3A_91, %dma_wait3A_92] : memref<128x128x128xf32, #tpu.memory_space<hbm>> -> memref<1x128x128xf32, #tpu.memory_space<hbm>>
      %dma_wait3A_94 = tpu.memref_squeeze %dma_wait3A_93 : memref<1x128x128xf32, #tpu.memory_space<hbm>> -> memref<128x128xf32, #tpu.memory_space<hbm>>
      tpu.wait_dma2 semaphore(%arg11 : memref<!tpu.dma_semaphore, #tpu.memory_space<semaphore_mem>>) src(%dma_wait3A_94 : memref<128x128xf32, #tpu.memory_space<hbm>>) dst(%arg6 : memref<128x128xf32, #tpu.memory_space<vmem>>)
      %add3A_95 = arith.constant 1 : i32
      %add3A_96 = arith.addi %add3A_59, %add3A_95 : i32
      %dma_start3A_97 = arith.constant 0 : i32
      %dma_start3A_98 = arith.constant 0 : i32
      %dma_start3A_99 = tpu.memref_slice %arg2[%add3A_96, %dma_start3A_97, %dma_start3A_98] : memref<128x128x128xf32, #tpu.memory_space<hbm>> -> memref<1x128x128xf32, #tpu.memory_space<hbm>>
      %dma_start3A_100 = tpu.memref_squeeze %dma_start3A_99 : memref<1x128x128xf32, #tpu.memory_space<hbm>> -> memref<128x128xf32, #tpu.memory_space<hbm>>
      %dma_start3A_101 = arith.constant 0 : i32
      %dma_start3A_102 = arith.constant 0 : i32
      %dma_start3A_103 = tpu.memref_slice %arg2[%add3A_96, %dma_start3A_101, %dma_start3A_102] : memref<128x128x128xf32, #tpu.memory_space<hbm>> -> memref<1x128x128xf32, #tpu.memory_space<hbm>>
      %dma_start3A_104 = tpu.memref_squeeze %dma_start3A_103 : memref<1x128x128xf32, #tpu.memory_space<hbm>> -> memref<128x128xf32, #tpu.memory_space<hbm>>
      tpu.enqueue_dma source(%dma_start3A_104 : memref<128x128xf32, #tpu.memory_space<hbm>>) target(%arg7 : memref<128x128xf32, #tpu.memory_space<vmem>>) target_semaphore(%arg11 : memref<!tpu.dma_semaphore, #tpu.memory_space<semaphore_mem>>)
      %parallel_loop3A = arith.constant 0 : i32
      %parallel_loop3A_105 = arith.constant 512 : i32
      %parallel_loop3A_106 = arith.constant 1 : i32
      %parallel_loop3A_107:2 = scf.for %parallel_loop3A_189 = %parallel_loop3A to %parallel_loop3A_105 step %parallel_loop3A_106 iter_args(%parallel_loop3A_190 = %scan3A_55, %parallel_loop3A_191 = %scan3A_56) -> (vector<16xf32>, vector<16xf32>)  : i32 {
        %parallel_loop3A_192 = arith.constant 8 : i32
        %parallel_loop3A_193 = arith.divsi %parallel_loop3A_189, %parallel_loop3A_192 : i32
        %parallel_loop3A_194 = arith.constant 0 : i32
        %parallel_loop3A_195 = arith.cmpi sgt, %parallel_loop3A_189, %parallel_loop3A_194 : i32
        %parallel_loop3A_196 = arith.extui %parallel_loop3A_195 : i1 to i32
        %parallel_loop3A_197 = arith.constant 0 : i32
        %parallel_loop3A_198 = arith.cmpi slt, %parallel_loop3A_189, %parallel_loop3A_197 : i32
        %parallel_loop3A_199 = arith.extui %parallel_loop3A_198 : i1 to i32
        %parallel_loop3A_200 = arith.subi %parallel_loop3A_196, %parallel_loop3A_199 : i32
        %parallel_loop3A_201 = arith.constant 0 : i32
        %parallel_loop3A_202 = arith.cmpi sgt, %parallel_loop3A_192, %parallel_loop3A_201 : i32
        %parallel_loop3A_203 = arith.extui %parallel_loop3A_202 : i1 to i32
        %parallel_loop3A_204 = arith.constant 0 : i32
        %parallel_loop3A_205 = arith.cmpi slt, %parallel_loop3A_192, %parallel_loop3A_204 : i32
        %parallel_loop3A_206 = arith.extui %parallel_loop3A_205 : i1 to i32
        %parallel_loop3A_207 = arith.subi %parallel_loop3A_203, %parallel_loop3A_206 : i32
        %parallel_loop3A_208 = arith.cmpi ne, %parallel_loop3A_200, %parallel_loop3A_207 : i32
        %parallel_loop3A_209 = arith.remsi %parallel_loop3A_189, %parallel_loop3A_192 : i32
        %parallel_loop3A_210 = arith.constant 0 : i32
        %parallel_loop3A_211 = arith.cmpi ne, %parallel_loop3A_209, %parallel_loop3A_210 : i32
        %parallel_loop3A_212 = arith.andi %parallel_loop3A_208, %parallel_loop3A_211 : i1
        %parallel_loop3A_213 = arith.constant 1 : i32
        %parallel_loop3A_214 = arith.subi %parallel_loop3A_193, %parallel_loop3A_213 : i32
        %parallel_loop3A_215 = arith.select %parallel_loop3A_212, %parallel_loop3A_214, %parallel_loop3A_193 : i32
        %parallel_loop3A_216 = arith.constant 2 : i32
        %parallel_loop3A_217 = arith.muli %parallel_loop3A_216, %parallel_loop3A_215 : i32
        %parallel_loop3A_218 = arith.constant 8 : i32
        %parallel_loop3A_219 = arith.constant 0 : i32
        %parallel_loop3A_220 = arith.cmpi eq, %parallel_loop3A_218, %parallel_loop3A_219 : i32
        %parallel_loop3A_221 = arith.constant 1 : i32
        %parallel_loop3A_222 = arith.select %parallel_loop3A_220, %parallel_loop3A_221, %parallel_loop3A_218 : i32
        %parallel_loop3A_223 = arith.remsi %parallel_loop3A_189, %parallel_loop3A_222 : i32
        %parallel_loop3A_224 = arith.constant 0 : i32
        %parallel_loop3A_225 = arith.cmpi ne, %parallel_loop3A_223, %parallel_loop3A_224 : i32
        %parallel_loop3A_226 = arith.constant 0 : i32
        %parallel_loop3A_227 = arith.cmpi slt, %parallel_loop3A_223, %parallel_loop3A_226 : i32
        %parallel_loop3A_228 = arith.constant 0 : i32
        %parallel_loop3A_229 = arith.cmpi slt, %parallel_loop3A_222, %parallel_loop3A_228 : i32
        %parallel_loop3A_230 = arith.xori %parallel_loop3A_227, %parallel_loop3A_229 : i1
        %parallel_loop3A_231 = arith.andi %parallel_loop3A_230, %parallel_loop3A_225 : i1
        %parallel_loop3A_232 = arith.addi %parallel_loop3A_223, %parallel_loop3A_222 : i32
        %parallel_loop3A_233 = arith.select %parallel_loop3A_231, %parallel_loop3A_232, %parallel_loop3A_223 : i32
        %parallel_loop3A_234 = arith.constant 16 : i32
        %parallel_loop3A_235 = arith.muli %parallel_loop3A_234, %parallel_loop3A_233 : i32
        %parallel_loop3A_236 = arith.index_cast %parallel_loop3A_217 : i32 to index
        %parallel_loop3A_237 = arith.index_cast %parallel_loop3A_235 : i32 to index
        %parallel_loop3A_238 = tpu.vector_load %arg6[%parallel_loop3A_236, %parallel_loop3A_237] {strides = array<i32>} : memref<128x128xf32, #tpu.memory_space<vmem>>, vector<16xf32>,
        %parallel_loop3A_239 = arith.constant 1 : i32
        %parallel_loop3A_240 = arith.addi %parallel_loop3A_217, %parallel_loop3A_239 : i32
        %parallel_loop3A_241 = arith.index_cast %parallel_loop3A_240 : i32 to index
        %parallel_loop3A_242 = arith.index_cast %parallel_loop3A_235 : i32 to index
        %parallel_loop3A_243 = tpu.vector_load %arg6[%parallel_loop3A_241, %parallel_loop3A_242] {strides = array<i32>} : memref<128x128xf32, #tpu.memory_space<vmem>>, vector<16xf32>,
        %parallel_loop3A_244 = arith.constant 2.560000e+02 : f32
        %parallel_loop3A_245 = vector.broadcast %parallel_loop3A_244 : f32 to vector<16xf32>
        %parallel_loop3A_246 = arith.mulf %parallel_loop3A_238, %parallel_loop3A_245 : vector<16xf32>
        %parallel_loop3A_247 = arith.fptosi %parallel_loop3A_246 : vector<16xf32> to vector<16xi32>
        %parallel_loop3A_248 = arith.constant 2.560000e+02 : f32
        %parallel_loop3A_249 = vector.broadcast %parallel_loop3A_248 : f32 to vector<16xf32>
        %parallel_loop3A_250 = arith.mulf %parallel_loop3A_243, %parallel_loop3A_249 : vector<16xf32>
        %parallel_loop3A_251 = arith.fptosi %parallel_loop3A_250 : vector<16xf32> to vector<16xi32>
        %parallel_loop3A_252 = arith.constant -8 : i32
        %parallel_loop3A_253 = vector.broadcast %parallel_loop3A_252 : i32 to vector<16xi32>
        %parallel_loop3A_254 = arith.andi %parallel_loop3A_251, %parallel_loop3A_253 : vector<16xi32>
        %parallel_loop3A_255 = arith.addi %parallel_loop3A_251, %parallel_loop3A_254 : vector<16xi32>
        %parallel_loop3A_256 = arith.constant 128 : i32
        %parallel_loop3A_257 = vector.broadcast %parallel_loop3A_256 : i32 to vector<16xi32>
        %parallel_loop3A_258 = arith.andi %parallel_loop3A_247, %parallel_loop3A_257 : vector<16xi32>
        %parallel_loop3A_259 = arith.constant 4 : i32
        %parallel_loop3A_260 = vector.broadcast %parallel_loop3A_259 : i32 to vector<16xi32>
        %parallel_loop3A_261 = arith.shrsi %parallel_loop3A_258, %parallel_loop3A_260 : vector<16xi32>
        %parallel_loop3A_262 = arith.addi %parallel_loop3A_255, %parallel_loop3A_261 : vector<16xi32>
        %parallel_loop3A_263 = arith.constant 127 : i32
        %parallel_loop3A_264 = vector.broadcast %parallel_loop3A_263 : i32 to vector<16xi32>
        %parallel_loop3A_265 = arith.andi %parallel_loop3A_247, %parallel_loop3A_264 : vector<16xi32>
        %parallel_loop3A_266 = tpu.vector_load_idx %arg5[%parallel_loop3A_262, %parallel_loop3A_265] : memref<512x128xf32, #tpu.memory_space<vmem>>[vector<16xi32>, vector<16xi32>], vector<16xf32>,
        %parallel_loop3A_267 = arith.mulf %parallel_loop3A_266, %parallel_loop3A_266 : vector<16xf32>
        %parallel_loop3A_268 = arith.addf %parallel_loop3A_190, %parallel_loop3A_267 : vector<16xf32>
        %parallel_loop3A_269 = arith.addf %parallel_loop3A_191, %parallel_loop3A_266 : vector<16xf32>
        scf.yield %parallel_loop3A_268, %parallel_loop3A_269 : vector<16xf32>, vector<16xf32>
      } {sc.loop_unroll_factor = 8 : i64, sc.parallel_access}
      %add3A_108 = arith.constant 1 : i32
      %add3A_109 = arith.addi %add3A_59, %add3A_108 : i32
      %dma_start3A_110 = arith.constant 0 : i32
      %dma_start3A_111 = arith.constant 0 : i32
      %dma_start3A_112 = tpu.memref_slice %arg5[%dma_start3A_110, %dma_start3A_111] : memref<512x128xf32, #tpu.memory_space<vmem>> -> memref<256x128xf32, #tpu.memory_space<vmem>>
      %dma_start3A_113 = arith.constant 0 : i32
      %dma_start3A_114 = arith.constant 0 : i32
      %dma_start3A_115 = tpu.memref_slice %arg3[%add3A_109, %dma_start3A_113, %dma_start3A_114] : memref<128x512x128xf32, #tpu.memory_space<hbm>> -> memref<1x256x128xf32, #tpu.memory_space<hbm>>
      %dma_start3A_116 = tpu.memref_squeeze %dma_start3A_115 : memref<1x256x128xf32, #tpu.memory_space<hbm>> -> memref<256x128xf32, #tpu.memory_space<hbm>>
      %dma_start3A_117 = arith.constant 0 : i32
      %dma_start3A_118 = arith.constant 0 : i32
      %dma_start3A_119 = tpu.memref_slice %arg5[%dma_start3A_117, %dma_start3A_118] : memref<512x128xf32, #tpu.memory_space<vmem>> -> memref<256x128xf32, #tpu.memory_space<vmem>>
      %dma_start3A_120 = arith.constant 0 : i32
      %dma_start3A_121 = arith.constant 0 : i32
      %dma_start3A_122 = tpu.memref_slice %arg3[%add3A_109, %dma_start3A_120, %dma_start3A_121] : memref<128x512x128xf32, #tpu.memory_space<hbm>> -> memref<1x256x128xf32, #tpu.memory_space<hbm>>
      %dma_start3A_123 = tpu.memref_squeeze %dma_start3A_122 : memref<1x256x128xf32, #tpu.memory_space<hbm>> -> memref<256x128xf32, #tpu.memory_space<hbm>>
      tpu.enqueue_dma source(%dma_start3A_123 : memref<256x128xf32, #tpu.memory_space<hbm>>) target(%dma_start3A_119 : memref<256x128xf32, #tpu.memory_space<vmem>>) target_semaphore(%arg9 : memref<!tpu.dma_semaphore, #tpu.memory_space<semaphore_mem>>)
      %dma_start3A_124 = arith.constant 256 : i32
      %dma_start3A_125 = arith.constant 0 : i32
      %dma_start3A_126 = tpu.memref_slice %arg5[%dma_start3A_124, %dma_start3A_125] : memref<512x128xf32, #tpu.memory_space<vmem>> -> memref<256x128xf32, #tpu.memory_space<vmem>>
      %dma_start3A_127 = arith.constant 256 : i32
      %dma_start3A_128 = arith.constant 0 : i32
      %dma_start3A_129 = tpu.memref_slice %arg3[%add3A_109, %dma_start3A_127, %dma_start3A_128] : memref<128x512x128xf32, #tpu.memory_space<hbm>> -> memref<1x256x128xf32, #tpu.memory_space<hbm>>
      %dma_start3A_130 = tpu.memref_squeeze %dma_start3A_129 : memref<1x256x128xf32, #tpu.memory_space<hbm>> -> memref<256x128xf32, #tpu.memory_space<hbm>>
      %dma_start3A_131 = arith.constant 256 : i32
      %dma_start3A_132 = arith.constant 0 : i32
      %dma_start3A_133 = tpu.memref_slice %arg5[%dma_start3A_131, %dma_start3A_132] : memref<512x128xf32, #tpu.memory_space<vmem>> -> memref<256x128xf32, #tpu.memory_space<vmem>>
      %dma_start3A_134 = arith.constant 256 : i32
      %dma_start3A_135 = arith.constant 0 : i32
      %dma_start3A_136 = tpu.memref_slice %arg3[%add3A_109, %dma_start3A_134, %dma_start3A_135] : memref<128x512x128xf32, #tpu.memory_space<hbm>> -> memref<1x256x128xf32, #tpu.memory_space<hbm>>
      %dma_start3A_137 = tpu.memref_squeeze %dma_start3A_136 : memref<1x256x128xf32, #tpu.memory_space<hbm>> -> memref<256x128xf32, #tpu.memory_space<hbm>>
      tpu.enqueue_dma source(%dma_start3A_137 : memref<256x128xf32, #tpu.memory_space<hbm>>) target(%dma_start3A_133 : memref<256x128xf32, #tpu.memory_space<vmem>>) target_semaphore(%arg10 : memref<!tpu.dma_semaphore, #tpu.memory_space<semaphore_mem>>)
      %add3A_138 = arith.constant 1 : i32
      %add3A_139 = arith.addi %add3A_59, %add3A_138 : i32
      %dma_wait3A_140 = arith.constant 0 : i32
      %dma_wait3A_141 = arith.constant 0 : i32
      %dma_wait3A_142 = tpu.memref_slice %arg5[%dma_wait3A_140, %dma_wait3A_141] : memref<512x128xf32, #tpu.memory_space<vmem>> -> memref<256x128xf32, #tpu.memory_space<vmem>>
      %dma_wait3A_143 = arith.constant 0 : i32
      %dma_wait3A_144 = arith.constant 0 : i32
      %dma_wait3A_145 = tpu.memref_slice %arg3[%add3A_139, %dma_wait3A_143, %dma_wait3A_144] : memref<128x512x128xf32, #tpu.memory_space<hbm>> -> memref<1x256x128xf32, #tpu.memory_space<hbm>>
      %dma_wait3A_146 = tpu.memref_squeeze %dma_wait3A_145 : memref<1x256x128xf32, #tpu.memory_space<hbm>> -> memref<256x128xf32, #tpu.memory_space<hbm>>
      %dma_wait3A_147 = arith.constant 0 : i32
      %dma_wait3A_148 = arith.constant 0 : i32
      %dma_wait3A_149 = tpu.memref_slice %arg5[%dma_wait3A_147, %dma_wait3A_148] : memref<512x128xf32, #tpu.memory_space<vmem>> -> memref<256x128xf32, #tpu.memory_space<vmem>>
      %dma_wait3A_150 = arith.constant 0 : i32
      %dma_wait3A_151 = arith.constant 0 : i32
      %dma_wait3A_152 = tpu.memref_slice %arg3[%add3A_139, %dma_wait3A_150, %dma_wait3A_151] : memref<128x512x128xf32, #tpu.memory_space<hbm>> -> memref<1x256x128xf32, #tpu.memory_space<hbm>>
      %dma_wait3A_153 = tpu.memref_squeeze %dma_wait3A_152 : memref<1x256x128xf32, #tpu.memory_space<hbm>> -> memref<256x128xf32, #tpu.memory_space<hbm>>
      tpu.wait_dma2 semaphore(%arg9 : memref<!tpu.dma_semaphore, #tpu.memory_space<semaphore_mem>>) src(%dma_wait3A_153 : memref<256x128xf32, #tpu.memory_space<hbm>>) dst(%dma_wait3A_149 : memref<256x128xf32, #tpu.memory_space<vmem>>)
      %dma_wait3A_154 = arith.constant 256 : i32
      %dma_wait3A_155 = arith.constant 0 : i32
      %dma_wait3A_156 = tpu.memref_slice %arg5[%dma_wait3A_154, %dma_wait3A_155] : memref<512x128xf32, #tpu.memory_space<vmem>> -> memref<256x128xf32, #tpu.memory_space<vmem>>
      %dma_wait3A_157 = arith.constant 256 : i32
      %dma_wait3A_158 = arith.constant 0 : i32
      %dma_wait3A_159 = tpu.memref_slice %arg3[%add3A_139, %dma_wait3A_157, %dma_wait3A_158] : memref<128x512x128xf32, #tpu.memory_space<hbm>> -> memref<1x256x128xf32, #tpu.memory_space<hbm>>
      %dma_wait3A_160 = tpu.memref_squeeze %dma_wait3A_159 : memref<1x256x128xf32, #tpu.memory_space<hbm>> -> memref<256x128xf32, #tpu.memory_space<hbm>>
      %dma_wait3A_161 = arith.constant 256 : i32
      %dma_wait3A_162 = arith.constant 0 : i32
      %dma_wait3A_163 = tpu.memref_slice %arg5[%dma_wait3A_161, %dma_wait3A_162] : memref<512x128xf32, #tpu.memory_space<vmem>> -> memref<256x128xf32, #tpu.memory_space<vmem>>
      %dma_wait3A_164 = arith.constant 256 : i32
      %dma_wait3A_165 = arith.constant 0 : i32
      %dma_wait3A_166 = tpu.memref_slice %arg3[%add3A_139, %dma_wait3A_164, %dma_wait3A_165] : memref<128x512x128xf32, #tpu.memory_space<hbm>> -> memref<1x256x128xf32, #tpu.memory_space<hbm>>
      %dma_wait3A_167 = tpu.memref_squeeze %dma_wait3A_166 : memref<1x256x128xf32, #tpu.memory_space<hbm>> -> memref<256x128xf32, #tpu.memory_space<hbm>>
      tpu.wait_dma2 semaphore(%arg10 : memref<!tpu.dma_semaphore, #tpu.memory_space<semaphore_mem>>) src(%dma_wait3A_167 : memref<256x128xf32, #tpu.memory_space<hbm>>) dst(%dma_wait3A_163 : memref<256x128xf32, #tpu.memory_space<vmem>>)
      %add3A_168 = arith.constant 1 : i32
      %add3A_169 = arith.addi %add3A_59, %add3A_168 : i32
      %dma_wait3A_170 = arith.constant 0 : i32
      %dma_wait3A_171 = arith.constant 0 : i32
      %dma_wait3A_172 = tpu.memref_slice %arg2[%add3A_169, %dma_wait3A_170, %dma_wait3A_171] : memref<128x128x128xf32, #tpu.memory_space<hbm>> -> memref<1x128x128xf32, #tpu.memory_space<hbm>>
      %dma_wait3A_173 = tpu.memref_squeeze %dma_wait3A_172 : memref<1x128x128xf32, #tpu.memory_space<hbm>> -> memref<128x128xf32, #tpu.memory_space<hbm>>
      %dma_wait3A_174 = arith.constant 0 : i32
      %dma_wait3A_175 = arith.constant 0 : i32
      %dma_wait3A_176 = tpu.memref_slice %arg2[%add3A_169, %dma_wait3A_174, %dma_wait3A_175] : memref<128x128x128xf32, #tpu.memory_space<hbm>> -> memref<1x128x128xf32, #tpu.memory_space<hbm>>
      %dma_wait3A_177 = tpu.memref_squeeze %dma_wait3A_176 : memref<1x128x128xf32, #tpu.memory_space<hbm>> -> memref<128x128xf32, #tpu.memory_space<hbm>>
      tpu.wait_dma2 semaphore(%arg11 : memref<!tpu.dma_semaphore, #tpu.memory_space<semaphore_mem>>) src(%dma_wait3A_177 : memref<128x128xf32, #tpu.memory_space<hbm>>) dst(%arg7 : memref<128x128xf32, #tpu.memory_space<vmem>>)
      %lt3A = arith.constant 1 : i32
      %lt3A_178 = arith.cmpi slt, %scan3A_54, %lt3A : i32
      %convert_element_type3A = arith.extui %lt3A_178 : i1 to i32
      %cond3A = arith.constant 0 : i32
      %cond3A_179 = arith.cmpi ne, %convert_element_type3A, %cond3A : i32
      scf.if %cond3A_179 {
        %add3A_189 = arith.constant 2 : i32
        %add3A_190 = arith.addi %add3A_59, %add3A_189 : i32
        %dma_start3A_191 = arith.constant 0 : i32
        %dma_start3A_192 = arith.constant 0 : i32
        %dma_start3A_193 = tpu.memref_slice %arg2[%add3A_190, %dma_start3A_191, %dma_start3A_192] : memref<128x128x128xf32, #tpu.memory_space<hbm>> -> memref<1x128x128xf32, #tpu.memory_space<hbm>>
        %dma_start3A_194 = tpu.memref_squeeze %dma_start3A_193 : memref<1x128x128xf32, #tpu.memory_space<hbm>> -> memref<128x128xf32, #tpu.memory_space<hbm>>
        %dma_start3A_195 = arith.constant 0 : i32
        %dma_start3A_196 = arith.constant 0 : i32
        %dma_start3A_197 = tpu.memref_slice %arg2[%add3A_190, %dma_start3A_195, %dma_start3A_196] : memref<128x128x128xf32, #tpu.memory_space<hbm>> -> memref<1x128x128xf32, #tpu.memory_space<hbm>>
        %dma_start3A_198 = tpu.memref_squeeze %dma_start3A_197 : memref<1x128x128xf32, #tpu.memory_space<hbm>> -> memref<128x128xf32, #tpu.memory_space<hbm>>
        tpu.enqueue_dma source(%dma_start3A_198 : memref<128x128xf32, #tpu.memory_space<hbm>>) target(%arg6 : memref<128x128xf32, #tpu.memory_space<vmem>>) target_semaphore(%arg11 : memref<!tpu.dma_semaphore, #tpu.memory_space<semaphore_mem>>)
      } else {
      }
      %parallel_loop3A_180 = arith.constant 0 : i32
      %parallel_loop3A_181 = arith.constant 512 : i32
      %parallel_loop3A_182 = arith.constant 1 : i32
      %parallel_loop3A_183:2 = scf.for %parallel_loop3A_189 = %parallel_loop3A_180 to %parallel_loop3A_181 step %parallel_loop3A_182 iter_args(%parallel_loop3A_190 = %parallel_loop3A_107#0, %parallel_loop3A_191 = %parallel_loop3A_107#1) -> (vector<16xf32>, vector<16xf32>)  : i32 {
        %parallel_loop3A_192 = arith.constant 8 : i32
        %parallel_loop3A_193 = arith.divsi %parallel_loop3A_189, %parallel_loop3A_192 : i32
        %parallel_loop3A_194 = arith.constant 0 : i32
        %parallel_loop3A_195 = arith.cmpi sgt, %parallel_loop3A_189, %parallel_loop3A_194 : i32
        %parallel_loop3A_196 = arith.extui %parallel_loop3A_195 : i1 to i32
        %parallel_loop3A_197 = arith.constant 0 : i32
        %parallel_loop3A_198 = arith.cmpi slt, %parallel_loop3A_189, %parallel_loop3A_197 : i32
        %parallel_loop3A_199 = arith.extui %parallel_loop3A_198 : i1 to i32
        %parallel_loop3A_200 = arith.subi %parallel_loop3A_196, %parallel_loop3A_199 : i32
        %parallel_loop3A_201 = arith.constant 0 : i32
        %parallel_loop3A_202 = arith.cmpi sgt, %parallel_loop3A_192, %parallel_loop3A_201 : i32
        %parallel_loop3A_203 = arith.extui %parallel_loop3A_202 : i1 to i32
        %parallel_loop3A_204 = arith.constant 0 : i32
        %parallel_loop3A_205 = arith.cmpi slt, %parallel_loop3A_192, %parallel_loop3A_204 : i32
        %parallel_loop3A_206 = arith.extui %parallel_loop3A_205 : i1 to i32
        %parallel_loop3A_207 = arith.subi %parallel_loop3A_203, %parallel_loop3A_206 : i32
        %parallel_loop3A_208 = arith.cmpi ne, %parallel_loop3A_200, %parallel_loop3A_207 : i32
        %parallel_loop3A_209 = arith.remsi %parallel_loop3A_189, %parallel_loop3A_192 : i32
        %parallel_loop3A_210 = arith.constant 0 : i32
        %parallel_loop3A_211 = arith.cmpi ne, %parallel_loop3A_209, %parallel_loop3A_210 : i32
        %parallel_loop3A_212 = arith.andi %parallel_loop3A_208, %parallel_loop3A_211 : i1
        %parallel_loop3A_213 = arith.constant 1 : i32
        %parallel_loop3A_214 = arith.subi %parallel_loop3A_193, %parallel_loop3A_213 : i32
        %parallel_loop3A_215 = arith.select %parallel_loop3A_212, %parallel_loop3A_214, %parallel_loop3A_193 : i32
        %parallel_loop3A_216 = arith.constant 2 : i32
        %parallel_loop3A_217 = arith.muli %parallel_loop3A_216, %parallel_loop3A_215 : i32
        %parallel_loop3A_218 = arith.constant 8 : i32
        %parallel_loop3A_219 = arith.constant 0 : i32
        %parallel_loop3A_220 = arith.cmpi eq, %parallel_loop3A_218, %parallel_loop3A_219 : i32
        %parallel_loop3A_221 = arith.constant 1 : i32
        %parallel_loop3A_222 = arith.select %parallel_loop3A_220, %parallel_loop3A_221, %parallel_loop3A_218 : i32
        %parallel_loop3A_223 = arith.remsi %parallel_loop3A_189, %parallel_loop3A_222 : i32
        %parallel_loop3A_224 = arith.constant 0 : i32
        %parallel_loop3A_225 = arith.cmpi ne, %parallel_loop3A_223, %parallel_loop3A_224 : i32
        %parallel_loop3A_226 = arith.constant 0 : i32
        %parallel_loop3A_227 = arith.cmpi slt, %parallel_loop3A_223, %parallel_loop3A_226 : i32
        %parallel_loop3A_228 = arith.constant 0 : i32
        %parallel_loop3A_229 = arith.cmpi slt, %parallel_loop3A_222, %parallel_loop3A_228 : i32
        %parallel_loop3A_230 = arith.xori %parallel_loop3A_227, %parallel_loop3A_229 : i1
        %parallel_loop3A_231 = arith.andi %parallel_loop3A_230, %parallel_loop3A_225 : i1
        %parallel_loop3A_232 = arith.addi %parallel_loop3A_223, %parallel_loop3A_222 : i32
        %parallel_loop3A_233 = arith.select %parallel_loop3A_231, %parallel_loop3A_232, %parallel_loop3A_223 : i32
        %parallel_loop3A_234 = arith.constant 16 : i32
        %parallel_loop3A_235 = arith.muli %parallel_loop3A_234, %parallel_loop3A_233 : i32
        %parallel_loop3A_236 = arith.index_cast %parallel_loop3A_217 : i32 to index
        %parallel_loop3A_237 = arith.index_cast %parallel_loop3A_235 : i32 to index
        %parallel_loop3A_238 = tpu.vector_load %arg7[%parallel_loop3A_236, %parallel_loop3A_237] {strides = array<i32>} : memref<128x128xf32, #tpu.memory_space<vmem>>, vector<16xf32>,
        %parallel_loop3A_239 = arith.constant 1 : i32
        %parallel_loop3A_240 = arith.addi %parallel_loop3A_217, %parallel_loop3A_239 : i32
        %parallel_loop3A_241 = arith.index_cast %parallel_loop3A_240 : i32 to index
        %parallel_loop3A_242 = arith.index_cast %parallel_loop3A_235 : i32 to index
        %parallel_loop3A_243 = tpu.vector_load %arg7[%parallel_loop3A_241, %parallel_loop3A_242] {strides = array<i32>} : memref<128x128xf32, #tpu.memory_space<vmem>>, vector<16xf32>,
        %parallel_loop3A_244 = arith.constant 2.560000e+02 : f32
        %parallel_loop3A_245 = vector.broadcast %parallel_loop3A_244 : f32 to vector<16xf32>
        %parallel_loop3A_246 = arith.mulf %parallel_loop3A_238, %parallel_loop3A_245 : vector<16xf32>
        %parallel_loop3A_247 = arith.fptosi %parallel_loop3A_246 : vector<16xf32> to vector<16xi32>
        %parallel_loop3A_248 = arith.constant 2.560000e+02 : f32
        %parallel_loop3A_249 = vector.broadcast %parallel_loop3A_248 : f32 to vector<16xf32>
        %parallel_loop3A_250 = arith.mulf %parallel_loop3A_243, %parallel_loop3A_249 : vector<16xf32>
        %parallel_loop3A_251 = arith.fptosi %parallel_loop3A_250 : vector<16xf32> to vector<16xi32>
        %parallel_loop3A_252 = arith.constant -8 : i32
        %parallel_loop3A_253 = vector.broadcast %parallel_loop3A_252 : i32 to vector<16xi32>
        %parallel_loop3A_254 = arith.andi %parallel_loop3A_251, %parallel_loop3A_253 : vector<16xi32>
        %parallel_loop3A_255 = arith.addi %parallel_loop3A_251, %parallel_loop3A_254 : vector<16xi32>
        %parallel_loop3A_256 = arith.constant 128 : i32
        %parallel_loop3A_257 = vector.broadcast %parallel_loop3A_256 : i32 to vector<16xi32>
        %parallel_loop3A_258 = arith.andi %parallel_loop3A_247, %parallel_loop3A_257 : vector<16xi32>
        %parallel_loop3A_259 = arith.constant 4 : i32
        %parallel_loop3A_260 = vector.broadcast %parallel_loop3A_259 : i32 to vector<16xi32>
        %parallel_loop3A_261 = arith.shrsi %parallel_loop3A_258, %parallel_loop3A_260 : vector<16xi32>
        %parallel_loop3A_262 = arith.addi %parallel_loop3A_255, %parallel_loop3A_261 : vector<16xi32>
        %parallel_loop3A_263 = arith.constant 127 : i32
        %parallel_loop3A_264 = vector.broadcast %parallel_loop3A_263 : i32 to vector<16xi32>
        %parallel_loop3A_265 = arith.andi %parallel_loop3A_247, %parallel_loop3A_264 : vector<16xi32>
        %parallel_loop3A_266 = tpu.vector_load_idx %arg5[%parallel_loop3A_262, %parallel_loop3A_265] : memref<512x128xf32, #tpu.memory_space<vmem>>[vector<16xi32>, vector<16xi32>], vector<16xf32>,
        %parallel_loop3A_267 = arith.mulf %parallel_loop3A_266, %parallel_loop3A_266 : vector<16xf32>
        %parallel_loop3A_268 = arith.addf %parallel_loop3A_190, %parallel_loop3A_267 : vector<16xf32>
        %parallel_loop3A_269 = arith.addf %parallel_loop3A_191, %parallel_loop3A_266 : vector<16xf32>
        scf.yield %parallel_loop3A_268, %parallel_loop3A_269 : vector<16xf32>, vector<16xf32>
      } {sc.loop_unroll_factor = 8 : i64, sc.parallel_access}
      %lt3A_184 = arith.constant 1 : i32
      %lt3A_185 = arith.cmpi slt, %scan3A_54, %lt3A_184 : i32
      %convert_element_type3A_186 = arith.extui %lt3A_185 : i1 to i32
      %cond3A_187 = arith.constant 0 : i32
      %cond3A_188 = arith.cmpi ne, %convert_element_type3A_186, %cond3A_187 : i32
      scf.if %cond3A_188 {
        %add3A_189 = arith.constant 2 : i32
        %add3A_190 = arith.addi %add3A_59, %add3A_189 : i32
        %dma_start3A_191 = arith.constant 0 : i32
        %dma_start3A_192 = arith.constant 0 : i32
        %dma_start3A_193 = tpu.memref_slice %arg5[%dma_start3A_191, %dma_start3A_192] : memref<512x128xf32, #tpu.memory_space<vmem>> -> memref<256x128xf32, #tpu.memory_space<vmem>>
        %dma_start3A_194 = arith.constant 0 : i32
        %dma_start3A_195 = arith.constant 0 : i32
        %dma_start3A_196 = tpu.memref_slice %arg3[%add3A_190, %dma_start3A_194, %dma_start3A_195] : memref<128x512x128xf32, #tpu.memory_space<hbm>> -> memref<1x256x128xf32, #tpu.memory_space<hbm>>
        %dma_start3A_197 = tpu.memref_squeeze %dma_start3A_196 : memref<1x256x128xf32, #tpu.memory_space<hbm>> -> memref<256x128xf32, #tpu.memory_space<hbm>>
        %dma_start3A_198 = arith.constant 0 : i32
        %dma_start3A_199 = arith.constant 0 : i32
        %dma_start3A_200 = tpu.memref_slice %arg5[%dma_start3A_198, %dma_start3A_199] : memref<512x128xf32, #tpu.memory_space<vmem>> -> memref<256x128xf32, #tpu.memory_space<vmem>>
        %dma_start3A_201 = arith.constant 0 : i32
        %dma_start3A_202 = arith.constant 0 : i32
        %dma_start3A_203 = tpu.memref_slice %arg3[%add3A_190, %dma_start3A_201, %dma_start3A_202] : memref<128x512x128xf32, #tpu.memory_space<hbm>> -> memref<1x256x128xf32, #tpu.memory_space<hbm>>
        %dma_start3A_204 = tpu.memref_squeeze %dma_start3A_203 : memref<1x256x128xf32, #tpu.memory_space<hbm>> -> memref<256x128xf32, #tpu.memory_space<hbm>>
        tpu.enqueue_dma source(%dma_start3A_204 : memref<256x128xf32, #tpu.memory_space<hbm>>) target(%dma_start3A_200 : memref<256x128xf32, #tpu.memory_space<vmem>>) target_semaphore(%arg9 : memref<!tpu.dma_semaphore, #tpu.memory_space<semaphore_mem>>)
        %dma_start3A_205 = arith.constant 256 : i32
        %dma_start3A_206 = arith.constant 0 : i32
        %dma_start3A_207 = tpu.memref_slice %arg5[%dma_start3A_205, %dma_start3A_206] : memref<512x128xf32, #tpu.memory_space<vmem>> -> memref<256x128xf32, #tpu.memory_space<vmem>>
        %dma_start3A_208 = arith.constant 256 : i32
        %dma_start3A_209 = arith.constant 0 : i32
        %dma_start3A_210 = tpu.memref_slice %arg3[%add3A_190, %dma_start3A_208, %dma_start3A_209] : memref<128x512x128xf32, #tpu.memory_space<hbm>> -> memref<1x256x128xf32, #tpu.memory_space<hbm>>
        %dma_start3A_211 = tpu.memref_squeeze %dma_start3A_210 : memref<1x256x128xf32, #tpu.memory_space<hbm>> -> memref<256x128xf32, #tpu.memory_space<hbm>>
        %dma_start3A_212 = arith.constant 256 : i32
        %dma_start3A_213 = arith.constant 0 : i32
        %dma_start3A_214 = tpu.memref_slice %arg5[%dma_start3A_212, %dma_start3A_213] : memref<512x128xf32, #tpu.memory_space<vmem>> -> memref<256x128xf32, #tpu.memory_space<vmem>>
        %dma_start3A_215 = arith.constant 256 : i32
        %dma_start3A_216 = arith.constant 0 : i32
        %dma_start3A_217 = tpu.memref_slice %arg3[%add3A_190, %dma_start3A_215, %dma_start3A_216] : memref<128x512x128xf32, #tpu.memory_space<hbm>> -> memref<1x256x128xf32, #tpu.memory_space<hbm>>
        %dma_start3A_218 = tpu.memref_squeeze %dma_start3A_217 : memref<1x256x128xf32, #tpu.memory_space<hbm>> -> memref<256x128xf32, #tpu.memory_space<hbm>>
        tpu.enqueue_dma source(%dma_start3A_218 : memref<256x128xf32, #tpu.memory_space<hbm>>) target(%dma_start3A_214 : memref<256x128xf32, #tpu.memory_space<vmem>>) target_semaphore(%arg10 : memref<!tpu.dma_semaphore, #tpu.memory_space<semaphore_mem>>)
      } else {
      }
      scf.yield %parallel_loop3A_183#0, %parallel_loop3A_183#1 : vector<16xf32>, vector<16xf32>
    }
    %scan3A_43 = arith.constant 2 : i32
    %mul3A_44 = arith.constant 2.621440e+05 : f32
    %mul3A_45 = vector.broadcast %mul3A_44 : f32 to vector<16xf32>
    %mul3A_46 = arith.mulf %mul3A_45, %scan3A_42#0 : vector<16xf32>
    %mul3A_47 = arith.constant 2.600960e+05 : f32
    %mul3A_48 = vector.broadcast %mul3A_47 : f32 to vector<16xf32>
    %mul3A_49 = arith.mulf %mul3A_48, %scan3A_42#1 : vector<16xf32>
    %sub3A = arith.subf %mul3A_46, %mul3A_49 : vector<16xf32>
    %add3A_50 = arith.constant 0x4CFC0400 : f32
    %add3A_51 = vector.broadcast %add3A_50 : f32 to vector<16xf32>
    %add3A_52 = arith.addf %sub3A, %add3A_51 : vector<16xf32>
    %swap3A = arith.constant 0 : index
    %swap3A_53 = tpu.vector_load %arg8[%swap3A] {strides = array<i32>} : memref<16xf32, #tpu.memory_space<vmem>>, vector<16xf32>,
    tpu.vector_store %arg8[%swap3A], %add3A_52 {strides = array<i32>} : memref<16xf32, #tpu.memory_space<vmem>>, vector<16xf32>,
    "tpu.region"() ({
      %run_scoped3A = tpu.sem_alloc : memref<!tpu.dma_semaphore, #tpu.memory_space<semaphore_mem>>
      %dma_start3A_54 = arith.constant 0 : i32
      %dma_start3A_55 = tpu.memref_slice %arg4[%add3A, %dma_start3A_54] : memref<32x16xf32, #tpu.memory_space<hbm>> -> memref<1x16xf32, #tpu.memory_space<hbm>>
      %dma_start3A_56 = tpu.memref_squeeze %dma_start3A_55 : memref<1x16xf32, #tpu.memory_space<hbm>> -> memref<16xf32, #tpu.memory_space<hbm>>
      %dma_start3A_57 = arith.constant 0 : i32
      %dma_start3A_58 = tpu.memref_slice %arg4[%add3A, %dma_start3A_57] : memref<32x16xf32, #tpu.memory_space<hbm>> -> memref<1x16xf32, #tpu.memory_space<hbm>>
      %dma_start3A_59 = tpu.memref_squeeze %dma_start3A_58 : memref<1x16xf32, #tpu.memory_space<hbm>> -> memref<16xf32, #tpu.memory_space<hbm>>
      tpu.enqueue_dma source(%arg8 : memref<16xf32, #tpu.memory_space<vmem>>) target(%dma_start3A_59 : memref<16xf32, #tpu.memory_space<hbm>>) target_semaphore(%run_scoped3A : memref<!tpu.dma_semaphore, #tpu.memory_space<semaphore_mem>>)
      %dma_wait3A = arith.constant 0 : i32
      %dma_wait3A_60 = tpu.memref_slice %arg4[%add3A, %dma_wait3A] : memref<32x16xf32, #tpu.memory_space<hbm>> -> memref<1x16xf32, #tpu.memory_space<hbm>>
      %dma_wait3A_61 = tpu.memref_squeeze %dma_wait3A_60 : memref<1x16xf32, #tpu.memory_space<hbm>> -> memref<16xf32, #tpu.memory_space<hbm>>
      %dma_wait3A_62 = arith.constant 0 : i32
      %dma_wait3A_63 = tpu.memref_slice %arg4[%add3A, %dma_wait3A_62] : memref<32x16xf32, #tpu.memory_space<hbm>> -> memref<1x16xf32, #tpu.memory_space<hbm>>
      %dma_wait3A_64 = tpu.memref_squeeze %dma_wait3A_63 : memref<1x16xf32, #tpu.memory_space<hbm>> -> memref<16xf32, #tpu.memory_space<hbm>>
      tpu.wait_dma2 semaphore(%run_scoped3A : memref<!tpu.dma_semaphore, #tpu.memory_space<semaphore_mem>>) src(%arg8 : memref<16xf32, #tpu.memory_space<vmem>>) dst(%dma_wait3A_64 : memref<16xf32, #tpu.memory_space<hbm>>)
      tpu.yield
    }) : () -> ()
    return
  }
}

</mosaic_0001>

<sc_bundles>
// kernel: kernel.3.cloned.1.call-start
scs
__scs_entry_jumppad:
0x0: {  	(pc) =	sbr.rel $0x88, $3  }
0x1: {  	(tag) =	ssettag $0x0;
	lr =	simm.s32 $0x1  }
0x2: {  	[smem:$0x3F9F] =	sst lr;
	_ =	strace $0xD0000000  }
0x3: {  	_ = 	snop  }
0x4: {  	_ = 	snop  }
0x5: {  	_ = 	snop  }
0x6: {  	_ = 	snop  }
0x7: {  	_ = 	snop  }
__scs_overlays_trampoline_lowered:
0x8: {  	[smem:$0x3FAE] =	sst s0  }
0x9: {  	[smem:$0x3FAF] =	sst s1  }
0xa: {  	[smem:$0x3FB0] =	sst s2  }
0xb: {  	[smem:$0x3FB1] =	sst s3  }
0xc: {  	[smem:$0x3FB2] =	sst s4  }
0xd: {  	[smem:$0x3FB3] =	sst s5  }
0xe: {  	[smem:$0x3FB4] =	sst s6  }
0xf: {  	[smem:$0x3FB5] =	sst s7  }
0x10: {  	[smem:$0x3FB6] =	sst s8  }
0x11: {  	[smem:$0x3FB7] =	sst s9;
	s0 =	simm.s32 @!p0 $0x0  }
0x12: {  	s1 =	sld [smem:$0x3F9D];
	s0 =	simm.s32 @p0 $0x1  }
0x13: {  	[smem:$0x3FB8] =	sst s0;
	s0 =	simm.s32 @!p1 $0x0  }
0x14: {  	s2 =	sld [smem:$0x3F9C];
	s0 =	simm.s32 @p1 $0x1  }
0x15: {  	[smem:$0x3FB9] =	sst s0;
	s0 =	simm.s32 @!p2 $0x0  }
0x16: {  	s3 =	sld [smem:$0x3FDB];
	s0 =	simm.s32 @p2 $0x1  }
0x17: {  	s4 =	simm.s32 $0x1BF5;
	[smem:$0x3FBB] =	sst s0  }
0x18: {  	s0 =	sld [smem:$0x3F9E];
	_ =	swait.ge [sflag:s4], $0x0  }
0x19: {  	s7 =	sld [smem:$0x3F9F]  }
0x1a: {  	s8 =	sadd.s32 $0xFFFFE003, lr  }
0x1b: {  	s9 =	sadd.s32 $0xFFFFFEF7, lr;
	s5 =	simm.s32 $0xFFFFFFFF;
	p2 =	slt.u32 s8, $0xFFFFF086  }
0x1c: {  	p1 =	slt.u32 s9, $0xF7A;
	s5 =	simm.s32 @!p2 $0x0  }
0x1d: {  	s5 =	simm.s32 @p1 $0x1;
	p0 =	seq.s32 s7, s2  }
0x1e: {  	s7 =	smul.u32 @!p0 $0xF7A, s2;
	p2 =	seq.s32 @!p0 s5, $0x0  }
0x1f: {  	s9 =	smul.u32 $0xF7A, s1;
	s8 =	simm.s32 @!p0 $0x1BF5;
	p2 =	por !p2, p0  }
0x20: {  	[sflag:s8] =	ssyncset.s32 @!p0 $0xFFFFF086;
	s6 =	sadd.s32 @!p0 s3, s7;
	s7 =	simm.s32 @!p0 $0x108  }
0x21: {  	s3 =	sadd.s32 s3, s9;
	s6 =	sadd.s32 @!p0 $0x88, s6;
	s7 =	simm.s32 @p2 $0x1082  }
0x22: {  	[simem:s7], [sflag:s8] =	dma.local @!p0 [hbm:s6], $0xF7A  }
0x23: {  	s9 =	sor.u32 $0xD0000000, s2;
	s6 =	simm.s32 $0x108;
	_ =	swait.ge @!p0 [sflag:s8], $0x0  }
0x24: {  	s3 =	sadd.s32 $0x88, s3;
	s6 =	simm.s32 @!p1 $0x1082;
	[sflag:s4] =	ssyncset.s32 $0xFFFFF086  }
0x25: {  	[simem:s6], [sflag:s4] =	dma.local [hbm:s3], $0xF7A  }
0x26: {  	[smem:$0x3F9F] =	sst s1;
	(tag) =	ssettag s2;
	_ =	strace s9  }
0x27: {  	s1 =	sld [smem:$0x3FAF]  }
0x28: {  	s2 =	sld [smem:$0x3FB0]  }
0x29: {  	s4 =	sld [smem:$0x3FB2]  }
0x2a: {  	p0 =	seq.s32 s5, $0x0;
	s5 =	sld [smem:$0x3FB3]  }
0x2b: {  	s6 =	sld [smem:$0x3FB4]  }
0x2c: {  	s7 =	sld [smem:$0x3FB5]  }
0x2d: {  	s3 =	simm.s32 $0x108;
	s8 =	sld [smem:$0x3FB6]  }
0x2e: {  	s3 =	simm.s32 @!p0 $0x1082;
	s9 =	sld [smem:$0x3FB7]  }
0x2f: {  	lr =	sadd.s32 s0, s3;
	s0 =	sld [smem:$0x3FAE]  }
0x30: {  	s3 =	sld [smem:$0x3FB1]  }
0x31: {  	[smem:$0x3FBA] =	sst s10  }
0x32: {  	s10 =	sld [smem:$0x3FB8];
	_ =	sdelay $0x3  }
0x33: {  	p0 =	seq.s32 s10, $0x1;
	s10 =	sld [smem:$0x3FBA];
	_ =	sdelay $0x3  }
0x34: {  	[smem:$0x3FBA] =	sst s10  }
0x35: {  	s10 =	sld [smem:$0x3FB9];
	_ =	sdelay $0x3  }
0x36: {  	p1 =	seq.s32 s10, $0x1;
	s10 =	sld [smem:$0x3FBA];
	_ =	sdelay $0x3  }
0x37: {  	[smem:$0x3FBA] =	sst s10  }
0x38: {  	s10 =	sld [smem:$0x3FBB]  }
0x39: {  	_ = 	snop;
	(pc) =	sbr.ind lr, $3  }
0x3a: {  	_ = 	snop  }
0x3b: {  	_ = 	snop  }
0x3c: {  	p2 =	seq.s32 s10, $0x1;
	s10 =	sld [smem:$0x3FBA]  }
0x3d: {  	_ =	shalt  }
0x3e: {  	_ =	shalt  }
0x3f: {  	_ =	shalt  }
0x40: {  	_ =	shalt  }
0x41: {  	_ =	shalt  }
0x42: {  	_ =	shalt  }
0x43: {  	_ =	shalt  }
0x44: {  	_ =	shalt  }
0x45: {  	_ =	shalt  }
0x46: {  	_ =	shalt  }
0x47: {  	_ =	shalt  }
0x48: {  	_ =	shalt  }
0x49: {  	_ =	shalt  }
0x4a: {  	_ =	shalt  }
0x4b: {  	_ =	shalt  }
0x4c: {  	_ =	shalt  }
0x4d: {  	_ =	shalt  }
0x4e: {  	_ =	shalt  }
0x4f: {  	_ =	shalt  }
0x50: {  	_ =	shalt  }
0x51: {  	_ =	shalt  }
0x52: {  	_ =	shalt  }
0x53: {  	_ =	shalt  }
0x54: {  	_ =	shalt  }
0x55: {  	_ =	shalt  }
0x56: {  	_ =	shalt  }
0x57: {  	_ =	shalt  }
0x58: {  	_ =	shalt  }
0x59: {  	_ =	shalt  }
0x5a: {  	_ =	shalt  }
0x5b: {  	_ =	shalt  }
0x5c: {  	_ =	shalt  }
0x5d: {  	_ =	shalt  }
0x5e: {  	_ =	shalt  }
0x5f: {  	_ =	shalt  }
0x60: {  	_ =	shalt  }
0x61: {  	_ =	shalt  }
0x62: {  	_ =	shalt  }
0x63: {  	_ =	shalt  }
0x64: {  	_ =	shalt  }
0x65: {  	_ =	shalt  }
0x66: {  	_ =	shalt  }
0x67: {  	_ =	shalt  }
0x68: {  	_ =	shalt  }
0x69: {  	_ =	shalt  }
0x6a: {  	_ =	shalt  }
0x6b: {  	_ =	shalt  }
0x6c: {  	_ =	shalt  }
0x6d: {  	_ =	shalt  }
0x6e: {  	_ =	shalt  }
0x6f: {  	_ =	shalt  }
0x70: {  	_ =	shalt  }
0x71: {  	_ =	shalt  }
0x72: {  	_ =	shalt  }
0x73: {  	_ =	shalt  }
0x74: {  	_ =	shalt  }
0x75: {  	_ =	shalt  }
0x76: {  	_ =	shalt  }
0x77: {  	_ =	shalt  }
0x78: {  	_ =	shalt  }
0x79: {  	_ =	shalt  }
0x7a: {  	_ =	shalt  }
0x7b: {  	_ =	shalt  }
0x7c: {  	_ =	shalt  }
0x7d: {  	_ =	shalt  }
0x7e: {  	_ =	shalt  }
0x7f: {  	_ =	shalt  }
0x80: {  	_ =	shalt  }
0x81: {  	_ =	shalt  }
0x82: {  	_ =	shalt  }
0x83: {  	_ =	shalt  }
0x84: {  	_ =	shalt  }
0x85: {  	_ =	shalt  }
0x86: {  	_ =	shalt  }
0x87: {  	_ =	shalt  }
.Lfunc_end0:
.L_simem_size_0:
called_computation_lowered:
.L_overlay_start_0:
0x88: {  	s2 =	sld [smem:$0x3FD9]  }
0x89: {  	s3 =	sld [smem:$0x3FFE];
	_ =	sdelay $0x1  }
0x8a: {  	s1 =	srdreg.scid  }
0x8b: {  	s0 =	sand.u32 $0x1, s1  }
0x8c: {  	s17 =	sshll.u32 s0, $0xA;
	s2 =	sadd.s32 s3, s2  }
0x8d: {  	s2 =	sadd.s32 s2, s17  }
0x8e: {  	[smem:$0x3FC6] =	sst s2  }
0x8f: {  	_ = 	snop  }
0x90: {  	s2 =	sld [smem:$0x3FC9]  }
0x91: {  	s18 =	sld [smem:$0x3FC8];
	(tm) =	ssettm $0x1  }
0x92: {  	s4 =	sld [smem:$0x3FFB];
	_ =	sdelay $0x3  }
0x93: {  	_ =	strace s4  }
0x94: {  	s4 =	sld [smem:$0x3FFC];
	_ =	sdelay $0x3  }
0x95: {  	_ =	strace s4  }
0x96: {  	s4 =	sld [smem:$0x3FFD];
	_ =	sdelay $0x3  }
0x97: {  	_ =	strace s4  }
0x98: {  	_ =	strace $0x8FFFFFFF  }
0x99: {  	s19 =	sld [smem:$0x3FDB];
	_ =	sdelay $0x1  }
0x9a: {  	s5 =	simm.s32 $_scs_section_size  }
0x9b: {  	s6 =	simm.s32 $_size__tile_overlayer_lowered;
	s7 =	simm.s32 $_tile_overlayer_lowered  }
0x9c: {  	s22 =	simm.s32 $0x1BFF;
	s21 =	sshll.u32 s7, $0x1;
	s4 =	sadd.s32 s5, s19  }
0x9d: {  	s8 =	simm.s32 $0x0;
	s20 =	sshll.u32 s6, $0x1;
	s6 =	sadd.s32 s21, s4  }
0x9e: {  	[timem:s8], [sflag:s22] =	dma.local [hbm:s6], s20  }
0x9f: {  	_ =	swait.ge [sflag:s22], s20  }
0xa0: {  	s5 =	ssub.s32 $0x0, s20;
	[sflag:s22] =	ssyncset.done $0x0  }
0xa1: {  	[sflag:s22] =	ssyncadd.s32 s5;
	_ =	sdelay $0x1  }
0xa2: {  	s23 =	simm.s32 $0x1B8B  }
0xa3: {  	_ =	swait.ge [sflag:s23], $0x1  }
0xa4: {  	[sflag:s23] =	ssyncset.done $0x0  }
0xa5: {  	s25 =	simm.s32 $0x1B8E;
	s24 =	sld [smem:$0x3FFE];
	[sflag:s23] =	ssyncadd.s32 $0xFFFFFFFF  }
0xa6: {  	s26 =	simm.s32 $execute0_lowered;
	[smem:$0x3FD2] =	sst s25  }
0xa7: {  	s6 =	sshll.u32 s26, $0x1;
	_ =	strace $0x80000046;
	[dreg:$0x1] =	wrdreg $0xFFFFFFFF  }
0xa8: {  	s28 =	simm.s32 $_size_execute0_lowered;
	s4 =	sadd.s32 s4, s6;
	[dreg:$0x0] =	wrdreg $0x0  }
0xa9: {  	s6 =	sshll.u32 s28, $0x1;
	[dreg:$0x2] =	wrdreg s4  }
0xaa: {  	[dreg:$0x3] =	wrdreg s6  }
0xab: {  	[dreg:$0x4] =	wrdreg $0xC0  }
0xac: {  	_ =	task [dreg:s8], $0x5FFFF  }
0xad: {  	[dreg:$0x1] =	wrdreg $0xFFFFFFFF  }
0xae: {  	[dreg:$0x0] =	wrdreg $0x60  }
0xaf: {  	[dreg:$0x2] =	wrdreg s2  }
0xb0: {  	[dreg:$0x3] =	wrdreg s18  }
0xb1: {  	[dreg:$0x4] =	wrdreg s24  }
0xb2: {  	[dreg:$0x5] =	wrdreg $0x9  }
0xb3: {  	_ =	task.clear_ibuf [dreg:s8], $0x6FFFF;
	_ =	strace $0x90000046  }
0xb4: {  	s29 =	simm.s32 $0x9;
	_ =	strace $0x80000048  }
0xb5: {  	_ =	swait.ge [sflag:s29], $0x1  }
0xb6: {  	[sflag:s29] =	ssyncadd.s32 $0xFFFFFFFF  }
0xb7: {  	_ =	strace $0x90000048  }
0xb8: {  	_ =	sfence  }
0xb9: {  	s30 =	sld [smem:$0x0];
	_ =	sdelay $0x2  }
0xba: {  	s31 =	sshll.u32 s1, $0xD;
	s1 =	sshrl.u32 s1, $0x2  }
0xbb: {  	s3 =	sand.u32 $0x4000, s31;
	s1 =	sadd.s32 s1, s30  }
0xbc: {  	s0 =	sor.u32 s3, s0;
	s1 =	sshll.u32 s1, $0x11  }
0xbd: {  	s0 =	sor.u32 s1, s0  }
0xbe: {  	s0 =	sadd.s32 $0x8F2B, s0  }
0xbf: {  	[sflag:s0] =	ssyncadd.remote.s32 $0x1  }
0xc0: {  	_ =	sfence.sel $0xFFFF  }
0xc1: {  	[dreg:$0x0] =	wrdreg $0xFFFFFFFF;
	(pc) =	sbr.abs _section_cstart, $3  }
0xc2: {  	[dreg:$0x1] =	wrdreg $0xFFFFFFFF  }
0xc3: {  	_ =	task.clear_ibuf [dreg:s8], $0x2FFFF;
	_ =	strace $0x9FFFFFFF  }
0xc4: {  	(tm) =	ssettm $0x7FFFFFFF  }
0xc5: {  	_ =	shalt  }
tec
execute0_lowered:
.L_overlay_start_1:
0x0: {  	(tag) =	ssettag $0x1  }
0x1: {  	s1 =	rddreg [dreg:$0x0]  }
0x2: {  	s2 =	rddreg [dreg:$0x1]  }
0x3: {  	s11 =	rddreg [dreg:$0x2]  }
0x4: {  	s0 =	rddreg [dreg:$0x3];
	s5 =	srdreg.scid;
	s4 =	simm.s32 $0x0  }
0x5: {  	s3 =	stileid.u32;
	s14 =	simm.s32 $0x10000;
	s15 =	simm.s32 $0x1  }
0x6: {  	s16 =	simm.s32 $0x2;
	s17 =	simm.s32 $0x3;
	s18 =	simm.s32 $0x14000  }
0x7: {  	s19 =	simm.s32 $0x18000;
	s20 =	simm.s32 $0x4;
	s21 =	simm.s32 $0x0  }
0x8: {  	s5 =	sand.u32 $0x1, s5;
	[smem:$0x7FF] =	sst s4;
	s7 =	sshll.u32 s3, $0x1  }
0x9: {  	s6 =	ssub.s32 $0x2, s5;
	_ =	strace $0x80000047;
	s10 =	sor.u32 s5, s7  }
.Ltmp0:
0xa: {  	s7 =	sadd.s32 $0x1000, s2;
	s8 =	sshrl.u32 s6, $0x1;
	(pc) =	sbr.rel .LBB2_1-.Ltmp0, $4  }
0xb: {  	s5 =	sshll.u32 s10, $0x2;
	s31 =	sshll.u32 s10, $0xF;
	s9 =	sshll.u32 s10, $0xD  }
0xc: {  	s13 =	sshll.u32 s10, $0x4;
	s10 =	sadd.s32 $0x1000, s1;
	s12 =	ssub.s32 s6, s8  }
0xd: {  	s6 =	sadd.s32 s2, s31;
	s8 =	sadd.s32 s31, s7;
	s9 =	sadd.s32 s1, s9  }
0xe: {  	s11 =	sadd.s32 s11, s13;
	s13 =	simm.s32 $0x8000;
	s12 =	smax.u32 s12, $0x1  }
.LBB2_8:
0xf: {  	v0 =	vmul.f32 $2.621440000e+05, v0;
	v1 =	vmul.f32 $-2.600960000e+05, v1;
	_ =	sdelay $0x1  }
0x10: {  	v0 =	vadd.f32 v1, v0;
	_ =	sdelay $0x1  }
0x11: {  	s21 =	sadd.s32 $0x1, s21;
	v0 =	vadd.f32 $1.321287680e+08, v0  }
0x12: {  	p0 =	sne.s32 s21, s12  }
.Ltmp1:
0x13: {  	[tilespmem:$0x18000] =	vst v0;
	(pc) =	sbr.rel @!p0 .LBB2_9-.Ltmp1, $4  }
0x14: {  	[hbm4b:s11+s4] =	stream.linear.scatter [tilespmem:s19], [sflag:$0x4], $0x80, $0x38;
	[tilespmem:$0x18080] =	vst v63  }
0x15: {  	_ =	swait.ge [sflag:s20], $0x80  }
0x16: {  	[sflag:s20] =	ssyncset.done $0x0  }
0x17: {  	[sflag:s20] =	ssyncadd.s32 $0xFFFFFF80  }
.LBB2_1:
0x18: {  	[tilespmem:s4], [sflag:$0x1] =	stream.linear.gather [hbm4b:s6+s4], $0x8000, $0x38;
	[tilespmem:$0x18080] =	vst v63  }
0x19: {  	_ = 	snop  }
0x1a: {  	[tilespmem:s13], [sflag:$0x2] =	stream.linear.gather [hbm4b:s8+s4], $0x8000, $0x38;
	[tilespmem:$0x18080] =	vst v63  }
0x1b: {  	p0 =	por $0x0, $0x0;
	s22 =	simm.s32 $0x0  }
0x1c: {  	v1 =	vimm.f32 $0.0e+00;
	v0 =	vimm.f32 $0.0e+00;
	[tilespmem:s14], [sflag:$0x3] =	stream.linear.gather [hbm4b:s9+s4], $0x4000, $0x38;
	[tilespmem:$0x18080] =	vst v63  }
.LBB2_2:
0x1d: {  	_ =	swait.ge [sflag:s15], $0x8000  }
0x1e: {  	[sflag:s15] =	ssyncset.done $0x0  }
0x1f: {  	[sflag:s15] =	ssyncadd.s32 $0xFFFF8000  }
0x20: {  	_ =	swait.ge [sflag:s16], $0x8000  }
0x21: {  	s22 =	sor.u32 s5, s22;
	[sflag:s16] =	ssyncset.done $0x0  }
0x22: {  	s23 =	sor.u32 $0x1, s22;
	[sflag:s16] =	ssyncadd.s32 $0xFFFF8000  }
0x23: {  	s24 =	sshll.u32 s23, $0xB;
	_ =	swait.ge [sflag:s17], $0x4000  }
0x24: {  	s24 =	sand.u32 $0x1FFFF800, s24;
	[sflag:s17] =	ssyncset.done $0x0  }
0x25: {  	s31 =	simm.s32 $0x10080;
	s24 =	sadd.s32 s1, s24;
	[sflag:s17] =	ssyncadd.s32 $0xFFFFC000  }
0x26: {  	[tilespmem:s18], [sflag:$0x3] =	stream.linear.gather [hbm4b:s24+s4], $0x4000, $0x38;
	[tilespmem:$0x18080] =	vst v63  }
0x27: {  	v2 =	vld [tilespmem:s31+$0x0]  }
0x28: {  	v3 =	vld [tilespmem:s31+$0x70]  }
0x29: {  	v4 =	vld [tilespmem:s31+$0xFFFFFFF0]  }
0x2a: {  	v5 =	vld [tilespmem:s31+$0x60]  }
0x2b: {  	v6 =	vld [tilespmem:s31+$0xFFFFFFD0]  }
0x2c: {  	v7 =	vld [tilespmem:s31+$0xFFFFFFC0]  }
0x2d: {  	v8 =	vld [tilespmem:s31+$0xFFFFFFA0]  }
0x2e: {  	v9 =	vld [tilespmem:s31+$0xFFFFFF80]  }
0x2f: {  	v11 =	vld [tilespmem:s31+$0x20]  }
0x30: {  	v12 =	vld [tilespmem:s31+$0xFFFFFF90]  }
0x31: {  	v13 =	vld [tilespmem:s31+$0x40]  }
0x32: {  	v15 =	vld [tilespmem:s31+$0x30];
	v2 =	vmul.f32 $2.560000000e+02, v2  }
0x33: {  	v19 =	vld [tilespmem:s31+$0x50];
	v3 =	vmul.f32 $2.560000000e+02, v3;
	v4 =	vmul.f32 $2.560000000e+02, v4  }
0x34: {  	v5 =	vmul.f32 $2.560000000e+02, v5;
	v6 =	vmul.f32 $2.560000000e+02, v6  }
0x35: {  	v7 =	vmul.f32 $2.560000000e+02, v7;
	v8 =	vmul.f32 $2.560000000e+02, v8  }
0x36: {  	v9 =	vmul.f32 $2.560000000e+02, v9;
	v12 =	vmul.f32 $2.560000000e+02, v12  }
0x37: {  	v11 =	vmul.f32 $2.560000000e+02, v11;
	v13 =	vmul.f32 $2.560000000e+02, v13  }
0x38: {  	v15 =	vmul.f32 $2.560000000e+02, v15;
	v19 =	vmul.f32 $2.560000000e+02, v19  }
0x39: {  	v2 =	vtrunc.f32 v2;
	v10 =	vtrunc.f32 v3  }
0x3a: {  	v4 =	vtrunc.f32 v4;
	v5 =	vtrunc.f32 v5  }
0x3b: {  	v6 =	vtrunc.f32 v6;
	v8 =	vtrunc.f32 v8  }
0x3c: {  	v7 =	vtrunc.f32 v7;
	v9 =	vtrunc.f32 v9  }
0x3d: {  	v12 =	vtrunc.f32 v12;
	v11 =	vtrunc.f32 v11  }
0x3e: {  	v13 =	vtrunc.f32 v13;
	v15 =	vtrunc.f32 v15  }
0x3f: {  	v59 =	vtrunc.f32 v19;
	v2 =	vcvt.f32.s32 v2  }
0x40: {  	v6 =	vcvt.f32.s32 v6;
	v9 =	vcvt.f32.s32 v9  }
0x41: {  	v7 =	vcvt.f32.s32 v7;
	v8 =	vcvt.f32.s32 v8  }
0x42: {  	v12 =	vcvt.f32.s32 v12;
	v13 =	vcvt.f32.s32 v13  }
0x43: {  	v3 =	vld [tilespmem:s31+$0x10];
	v11 =	vcvt.f32.s32 v11;
	v15 =	vcvt.f32.s32 v15  }
0x44: {  	v60 =	vcvt.f32.s32 v59;
	v14 =	vand.u32 $0x1FFFFF8, v2;
	v16 =	vshrl.u32 v9, $0x4  }
0x45: {  	v9 =	vand.u32 $0x7F, v9;
	v17 =	vshrl.u32 v8, $0x4;
	v18 =	vshrl.u32 v12, $0x4  }
0x46: {  	v12 =	vand.u32 $0x7F, v12;
	v8 =	vand.u32 $0x7F, v8;
	v20 =	vand.u32 $0x1FFFFF8, v13  }
0x47: {  	v56 =	vand.u32 $0x1FFFFF8, v11;
	v57 =	vand.u32 $0x7F, v7;
	v7 =	vshrl.u32 v7, $0x4  }
0x48: {  	v55 =	vld [tilespmem:s31+$0xFFFFFFB0];
	v2 =	vadd.s32 v2, v14;
	v16 =	vand.u32 $0x8, v16;
	v3 =	vmul.f32 $2.560000000e+02, v3  }
0x49: {  	v61 =	vand.u32 $0x1FFFFF8, v15;
	v14 =	vshrl.u32 v6, $0x4;
	v2 =	vadd.s32 v16, v2  }
0x4a: {  	v6 =	vand.u32 $0x7F, v6;
	v2 =	vshll.u32 v2, $0x7;
	v3 =	vtrunc.f32 v3  }
0x4b: {  	v17 =	vand.u32 $0x8, v17;
	v2 =	vor.u32 v9, v2;
	v3 =	vcvt.f32.s32 v3  }
0x4c: {  	v18 =	vand.u32 $0x8, v18;
	v13 =	vadd.s32 v13, v20;
	v11 =	vadd.s32 v11, v56  }
0x4d: {  	v11 =	vadd.s32 v17, v11;
	v9 =	vmul.f32 $2.560000000e+02, v55;
	v21 =	vand.u32 $0x1FFFFF8, v3  }
0x4e: {  	v58 =	vld [tilespmem:s31+$0xFFFFFFE0];
	v15 =	vadd.s32 v15, v61;
	v11 =	vshll.u32 v11, $0x7;
	v3 =	vadd.s32 v3, v21  }
0x4f: {  	v8 =	vor.u32 v8, v11;
	v9 =	vtrunc.f32 v9;
	v3 =	vadd.s32 v18, v3  }
0x50: {  	v11 =	vand.u32 $0x1FFFFF8, v60;
	v9 =	vcvt.f32.s32 v9;
	v2 =	vld.idx.msk [tilespmem:v2+s4+$0x0], $0xffff;
	v3 =	vshll.u32 v3, $0x7  }
0x51: {  	v14 =	vand.u32 $0x8, v14;
	v12 =	vor.u32 v12, v3;
	v3 =	vadd.s32 v60, v11  }
0x52: {  	v62 =	vand.u32 $0x7F, v9;
	v9 =	vshrl.u32 v9, $0x4;
	v3 =	vadd.s32 v14, v3  }
0x53: {  	v11 =	vmul.f32 $2.560000000e+02, v58;
	v14 =	vand.u32 $0x8, v9;
	v3 =	vshll.u32 v3, $0x7  }
0x54: {  	v9 =	vand.u32 $0x8, v7;
	v7 =	vcvt.f32.s32 v5;
	v63 =	vor.u32 v6, v3  }
0x55: {  	v5 =	vadd.f32 v2, v1;
	v1 =	vadd.s32 v9, v13;
	v9 =	vcvt.f32.s32 v4  }
0x56: {  	v4 =	vmul.f32 v2, v2;
	v2 =	vadd.s32 v14, v15;
	v13 =	vtrunc.f32 v11  }
0x57: {  	v11 =	vcvt.f32.s32 v10;
	v1 =	vshll.u32 v1, $0x7;
	v2 =	vshll.u32 v2, $0x7;
	v6 =	vld.idx.msk [tilespmem:v12+s4+$0x0], $0xffff  }
0x58: {  	v3 =	vld.idx.msk [tilespmem:v8+s4+$0x0], $0xffff;
	v10 =	vcvt.f32.s32 v13;
	v13 =	vand.u32 $0x1FFFFF8, v7;
	v8 =	vor.u32 v62, v2  }
0x59: {  	s25 =	simm.s32 $0x10180;
	s24 =	simm.s32 $0x0;
	v2 =	vor.u32 v57, v1;
	v12 =	vand.u32 $0x1FFFFF8, v11;
	v14 =	vshrl.u32 v9, $0x4;
	v1 =	vld.idx.msk [tilespmem:v63+s4+$0x0], $0xffff  }
.LBB2_3:
0x5a: {  	v15 =	vld [tilespmem:s25+$0xFFFFFFA0];
	s24 =	sadd.s32 $0x8, s24;
	v14 =	vand.u32 $0x8, v14;
	v9 =	vand.u32 $0x7F, v9  }
0x5b: {  	v7 =	vadd.s32 v7, v13;
	v13 =	vshrl.u32 v10, $0x4;
	v11 =	vadd.s32 v11, v12;
	v16 =	vld [tilespmem:s25+$0x0];
	p1 =	slt.u32 s24, $0x1F8  }
0x5c: {  	v5 =	vadd.f32 v6, v5;
	v13 =	vand.u32 $0x8, v13;
	v11 =	vadd.s32 v14, v11;
	v12 =	vld [tilespmem:s25+$0x70]  }
0x5d: {  	v0 =	vadd.f32 v4, v0;
	v4 =	vmul.f32 v6, v6;
	v6 =	vadd.s32 v13, v7;
	v14 =	vld [tilespmem:s25+$0xFFFFFFF0]  }
0x5e: {  	v6 =	vshll.u32 v6, $0x7;
	v7 =	vld.idx.msk [tilespmem:v8+s4+$0x0], $0xffff;
	v8 =	vand.u32 $0x7F, v10;
	v10 =	vshll.u32 v11, $0x7  }
0x5f: {  	v0 =	vadd.f32 v4, v0;
	v11 =	vld.idx.msk [tilespmem:v2+s4+$0x0], $0xffff;
	v2 =	vor.u32 v8, v6;
	v6 =	vor.u32 v9, v10  }
0x60: {  	v9 =	vmul.f32 v3, v3;
	v4 =	vmul.f32 $2.560000000e+02, v16;
	v8 =	vld [tilespmem:s25+$0x60]  }
0x61: {  	v5 =	vadd.f32 v3, v5;
	v10 =	vld [tilespmem:s25+$0xFFFFFFC0]  }
0x62: {  	v0 =	vadd.f32 v9, v0;
	v3 =	vtrunc.f32 v4;
	v13 =	vld [tilespmem:s25+$0xFFFFFFD0];
	v4 =	vmul.f32 $2.560000000e+02, v12  }
0x63: {  	v12 =	vmul.f32 $2.560000000e+02, v14;
	v9 =	vcvt.f32.s32 v3;
	v3 =	vld [tilespmem:s25+$0xFFFFFFE0]  }
0x64: {  	v14 =	vmul.f32 v7, v7;
	v5 =	vadd.f32 v7, v5;
	v7 =	vld.idx.msk [tilespmem:v2+s4+$0x0], $0xffff  }
0x65: {  	v2 =	vtrunc.f32 v4;
	v18 =	vmul.f32 v11, v11;
	v16 =	vld [tilespmem:s25+$0xFFFFFF80];
	v17 =	vand.u32 $0x1FFFFF8, v9  }
0x66: {  	v4 =	vtrunc.f32 v12;
	v8 =	vmul.f32 $2.560000000e+02, v8;
	v5 =	vadd.f32 v11, v5;
	v19 =	vld [tilespmem:s25+$0x10]  }
0x67: {  	v0 =	vadd.f32 v14, v0;
	v9 =	vadd.s32 v9, v17;
	v11 =	vld [tilespmem:s25+$0x20];
	v12 =	vmul.f32 $2.560000000e+02, v13  }
0x68: {  	v10 =	vmul.f32 $2.560000000e+02, v10;
	v8 =	vtrunc.f32 v8;
	v5 =	vadd.f32 v1, v5;
	v6 =	vld.idx.msk [tilespmem:v6+s4+$0x0], $0xffff  }
0x69: {  	v0 =	vadd.f32 v18, v0;
	v1 =	vmul.f32 v1, v1;
	v13 =	vld [tilespmem:s25+$0x40];
	v12 =	vtrunc.f32 v12  }
0x6a: {  	v15 =	vmul.f32 $2.560000000e+02, v15;
	v17 =	vmul.f32 v7, v7;
	v5 =	vadd.f32 v7, v5;
	v14 =	vld [tilespmem:s25+$0xFFFFFF90]  }
0x6b: {  	v0 =	vadd.f32 v1, v0;
	v7 =	vmul.f32 $2.560000000e+02, v16;
	v12 =	vcvt.f32.s32 v12  }
0x6c: {  	v10 =	vtrunc.f32 v10;
	v1 =	vtrunc.f32 v15  }
0x6d: {  	v0 =	vadd.f32 v17, v0;
	v7 =	vtrunc.f32 v7;
	v15 =	vshrl.u32 v12, $0x4  }
0x6e: {  	v16 =	vmul.f32 $2.560000000e+02, v19;
	v17 =	vmul.f32 v6, v6;
	v5 =	vadd.f32 v6, v5  }
0x6f: {  	v11 =	vmul.f32 $2.560000000e+02, v11;
	v6 =	vmul.f32 $2.560000000e+02, v14  }
0x70: {  	v7 =	vcvt.f32.s32 v7;
	v13 =	vmul.f32 $2.560000000e+02, v13;
	v0 =	vadd.f32 v17, v0  }
0x71: {  	v10 =	vcvt.f32.s32 v10;
	v12 =	vand.u32 $0x7F, v12;
	v14 =	vtrunc.f32 v16;
	v16 =	vld [tilespmem:s25+$0x30]  }
0x72: {  	v11 =	vtrunc.f32 v11;
	v17 =	vshrl.u32 v7, $0x4;
	v6 =	vtrunc.f32 v6  }
0x73: {  	v1 =	vcvt.f32.s32 v1;
	v17 =	vand.u32 $0x8, v17;
	v13 =	vtrunc.f32 v13  }
0x74: {  	v9 =	vadd.s32 v17, v9;
	v13 =	vcvt.f32.s32 v13;
	v6 =	vcvt.f32.s32 v6;
	v17 =	vld [tilespmem:s25+$0xFFFFFFB0]  }
0x75: {  	v18 =	vshrl.u32 v1, $0x4;
	v7 =	vand.u32 $0x7F, v7;
	v11 =	vcvt.f32.s32 v11  }
0x76: {  	v18 =	vand.u32 $0x8, v18;
	v19 =	vshrl.u32 v6, $0x4;
	v16 =	vmul.f32 $2.560000000e+02, v16;
	v20 =	vld [tilespmem:s25+$0x50]  }
0x77: {  	v14 =	vcvt.f32.s32 v14;
	v9 =	vshll.u32 v9, $0x7;
	v19 =	vand.u32 $0x8, v19  }
0x78: {  	v1 =	vand.u32 $0x7F, v1;
	v21 =	vand.u32 $0x1FFFFF8, v13;
	v6 =	vand.u32 $0x7F, v6  }
0x79: {  	v7 =	vor.u32 v7, v9;
	v13 =	vadd.s32 v13, v21;
	v9 =	vmul.f32 $2.560000000e+02, v17  }
0x7a: {  	v21 =	vand.u32 $0x7F, v10;
	v16 =	vtrunc.f32 v16;
	v17 =	vand.u32 $0x1FFFFF8, v11  }
0x7b: {  	v22 =	vand.u32 $0x1FFFFF8, v14;
	v9 =	vtrunc.f32 v9;
	v20 =	vmul.f32 $2.560000000e+02, v20  }
0x7c: {  	v14 =	vadd.s32 v14, v22;
	v16 =	vcvt.f32.s32 v16;
	v11 =	vadd.s32 v11, v17  }
0x7d: {  	v14 =	vadd.s32 v19, v14;
	v9 =	vcvt.f32.s32 v9;
	v17 =	vtrunc.f32 v20  }
0x7e: {  	v10 =	vshrl.u32 v10, $0x4;
	v11 =	vadd.s32 v18, v11;
	v17 =	vcvt.f32.s32 v17  }
0x7f: {  	v11 =	vshll.u32 v11, $0x7;
	v18 =	vld.idx.msk [tilespmem:v7+s4+$0x0], $0xffff;
	v7 =	vshll.u32 v14, $0x7;
	v14 =	vand.u32 $0x1FFFFF8, v16  }
0x80: {  	v15 =	vand.u32 $0x8, v15;
	v1 =	vor.u32 v1, v11;
	v11 =	vand.u32 $0x1FFFFF8, v17  }
0x81: {  	v19 =	vand.u32 $0x7F, v9;
	v6 =	vor.u32 v6, v7;
	v7 =	vadd.s32 v17, v11  }
0x82: {  	v9 =	vshrl.u32 v9, $0x4;
	v11 =	vmul.f32 $2.560000000e+02, v3;
	v7 =	vadd.s32 v15, v7  }
0x83: {  	v15 =	vand.u32 $0x8, v9;
	v9 =	vand.u32 $0x8, v10;
	v3 =	vshll.u32 v7, $0x7  }
0x84: {  	v10 =	vadd.s32 v16, v14;
	v7 =	vcvt.f32.s32 v8;
	v12 =	vor.u32 v12, v3  }
.Ltmp2:
0x85: {  	v5 =	vadd.f32 v18, v5;
	v3 =	vld.idx.msk [tilespmem:v1+s4+$0x0], $0xffff;
	v1 =	vadd.s32 v9, v13;
	v9 =	vcvt.f32.s32 v4;
	(pc) =	sbr.rel @p1 .LBB2_3-.Ltmp2, $4  }
0x86: {  	v8 =	vadd.s32 v15, v10;
	v4 =	vmul.f32 v18, v18;
	v6 =	vld.idx.msk [tilespmem:v6+s4+$0x0], $0xffff;
	v1 =	vshll.u32 v1, $0x7  }
0x87: {  	v10 =	vtrunc.f32 v11;
	v11 =	vcvt.f32.s32 v2;
	v8 =	vshll.u32 v8, $0x7  }
0x88: {  	v10 =	vcvt.f32.s32 v10;
	v8 =	vor.u32 v19, v8;
	v2 =	vor.u32 v21, v1  }
0x89: {  	s25 =	sadd.s32 $0x100, s25;
	v13 =	vand.u32 $0x1FFFFF8, v7;
	v14 =	vshrl.u32 v9, $0x4;
	v1 =	vld.idx.msk [tilespmem:v12+s4+$0x0], $0xffff;
	v12 =	vand.u32 $0x1FFFFF8, v11  }
0x8a: {  	v15 =	vshrl.u32 v10, $0x4;
	v14 =	vand.u32 $0x8, v14;
	v11 =	vadd.s32 v11, v12  }
0x8b: {  	v7 =	vadd.s32 v7, v13;
	v13 =	vand.u32 $0x8, v15;
	v11 =	vadd.s32 v14, v11  }
0x8c: {  	v9 =	vand.u32 $0x7F, v9;
	v7 =	vadd.s32 v13, v7;
	v11 =	vshll.u32 v11, $0x7  }
0x8d: {  	v10 =	vand.u32 $0x7F, v10;
	v7 =	vshll.u32 v7, $0x7;
	v9 =	vor.u32 v9, v11  }
0x8e: {  	v7 =	vor.u32 v10, v7;
	_ =	sdelay $0x1  }
0x8f: {  	v8 =	vld.idx.msk [tilespmem:v8+s4+$0x0], $0xffff  }
0x90: {  	v2 =	vld.idx.msk [tilespmem:v2+s4+$0x0], $0xffff;
	s23 =	sshll.u32 s23, $0xD  }
0x91: {  	s24 =	sadd.s32 s2, s23;
	v9 =	vld.idx.msk [tilespmem:v9+s4+$0x0], $0xffff  }
0x92: {  	v7 =	vld.idx.msk [tilespmem:v7+s4+$0x0], $0xffff;
	[tilespmem:s4], [sflag:$0x1] =	stream.linear.gather [hbm4b:s24+s4], $0x8000, $0x38  }
0x93: {  	s23 =	sadd.s32 s23, s7  }
0x94: {  	[tilespmem:s13], [sflag:$0x2] =	stream.linear.gather [hbm4b:s23+s4], $0x8000, $0x38;
	[tilespmem:$0x18080] =	vst v63  }
0x95: {  	_ =	swait.ge [sflag:s15], $0x8000  }
0x96: {  	[sflag:s15] =	ssyncset.done $0x0  }
0x97: {  	[sflag:s15] =	ssyncadd.s32 $0xFFFF8000  }
0x98: {  	_ =	swait.ge [sflag:s16], $0x8000  }
0x99: {  	[sflag:s16] =	ssyncset.done $0x0  }
0x9a: {  	[sflag:s16] =	ssyncadd.s32 $0xFFFF8000  }
0x9b: {  	s25 =	simm.s32 @!p0 $0x10000;
	v0 =	vadd.f32 v4, v0;
	v4 =	vmul.f32 v6, v6;
	_ =	swait.ge [sflag:s17], $0x4000  }
0x9c: {  	s31 =	simm.s32 $0x14080;
	s23 =	sshll.u32 @!p0 s22, $0xB;
	[sflag:s17] =	ssyncset.done $0x0  }
0x9d: {  	v0 =	vadd.f32 v4, v0;
	v4 =	vmul.f32 v3, v3;
	s24 =	simm.s32 @!p0 $0x0;
	s23 =	sadd.s32 @!p0 s23, s10;
	[sflag:s17] =	ssyncadd.s32 $0xFFFFC000  }
0x9e: {  	[tilespmem:s25], [sflag:$0x3] =	stream.linear.gather @!p0 [hbm4b:s23+s24], $0x4000, $0x38;
	[tilespmem:$0x18080] =	vst v63  }
0x9f: {  	v5 =	vadd.f32 v6, v5;
	v0 =	vadd.f32 v4, v0;
	v4 =	vmul.f32 v8, v8;
	v10 =	vld [tilespmem:s31+$0x0]  }
0xa0: {  	v6 =	vld [tilespmem:s31+$0x70]  }
0xa1: {  	v3 =	vadd.f32 v3, v5;
	v11 =	vmul.f32 v2, v2;
	v0 =	vadd.f32 v4, v0;
	v5 =	vld [tilespmem:s31+$0xFFFFFFF0]  }
0xa2: {  	v12 =	vld [tilespmem:s31+$0x60]  }
0xa3: {  	v3 =	vadd.f32 v8, v3;
	v8 =	vmul.f32 v1, v1;
	v0 =	vadd.f32 v11, v0;
	v13 =	vld [tilespmem:s31+$0xFFFFFFD0]  }
0xa4: {  	v15 =	vld [tilespmem:s31+$0xFFFFFFC0]  }
0xa5: {  	v2 =	vadd.f32 v2, v3;
	v0 =	vadd.f32 v8, v0;
	v4 =	vmul.f32 v7, v7;
	v3 =	vld [tilespmem:s31+$0xFFFFFFA0]  }
0xa6: {  	v11 =	vld [tilespmem:s31+$0xFFFFFF80]  }
0xa7: {  	v1 =	vadd.f32 v1, v2;
	v14 =	vmul.f32 v9, v9;
	v0 =	vadd.f32 v4, v0;
	v2 =	vld [tilespmem:s31+$0x10]  }
0xa8: {  	v4 =	vld [tilespmem:s31+$0x40]  }
0xa9: {  	v0 =	vadd.f32 v14, v0;
	v14 =	vld [tilespmem:s31+$0x30]  }
0xaa: {  	v19 =	vld [tilespmem:s31+$0x50];
	v10 =	vmul.f32 $2.560000000e+02, v10;
	v6 =	vmul.f32 $2.560000000e+02, v6  }
0xab: {  	v1 =	vadd.f32 v7, v1;
	v5 =	vmul.f32 $2.560000000e+02, v5;
	v12 =	vmul.f32 $2.560000000e+02, v12  }
0xac: {  	v8 =	vmul.f32 $2.560000000e+02, v13;
	v7 =	vmul.f32 $2.560000000e+02, v15  }
0xad: {  	v1 =	vadd.f32 v9, v1;
	v3 =	vmul.f32 $2.560000000e+02, v3;
	v9 =	vmul.f32 $2.560000000e+02, v11  }
0xae: {  	v2 =	vmul.f32 $2.560000000e+02, v2;
	v4 =	vmul.f32 $2.560000000e+02, v4  }
0xaf: {  	v14 =	vmul.f32 $2.560000000e+02, v14;
	v19 =	vmul.f32 $2.560000000e+02, v19  }
0xb0: {  	v10 =	vtrunc.f32 v10;
	v6 =	vtrunc.f32 v6  }
0xb1: {  	v16 =	vtrunc.f32 v5;
	v12 =	vtrunc.f32 v12  }
0xb2: {  	v8 =	vtrunc.f32 v8;
	v3 =	vtrunc.f32 v3  }
0xb3: {  	v7 =	vtrunc.f32 v7;
	v9 =	vtrunc.f32 v9  }
0xb4: {  	v2 =	vtrunc.f32 v2;
	v4 =	vtrunc.f32 v4  }
0xb5: {  	v14 =	vtrunc.f32 v14;
	v59 =	vtrunc.f32 v19  }
0xb6: {  	v10 =	vcvt.f32.s32 v10;
	v8 =	vcvt.f32.s32 v8  }
0xb7: {  	v9 =	vcvt.f32.s32 v9;
	v7 =	vcvt.f32.s32 v7  }
0xb8: {  	v13 =	vld [tilespmem:s31+$0xFFFFFF90];
	v3 =	vcvt.f32.s32 v3;
	v4 =	vcvt.f32.s32 v4  }
0xb9: {  	v5 =	vld [tilespmem:s31+$0x20];
	v2 =	vcvt.f32.s32 v2;
	v14 =	vcvt.f32.s32 v14  }
0xba: {  	v60 =	vcvt.f32.s32 v59;
	v11 =	vand.u32 $0x1FFFFF8, v10;
	v15 =	vshrl.u32 v9, $0x4  }
0xbb: {  	v9 =	vand.u32 $0x7F, v9;
	v17 =	vshrl.u32 v3, $0x4;
	v3 =	vand.u32 $0x7F, v3  }
0xbc: {  	v20 =	vand.u32 $0x1FFFFF8, v4;
	v58 =	vand.u32 $0x7F, v7;
	v21 =	vand.u32 $0x1FFFFF8, v2  }
0xbd: {  	v7 =	vshrl.u32 v7, $0x4;
	v10 =	vadd.s32 v10, v11;
	v15 =	vand.u32 $0x8, v15  }
0xbe: {  	v11 =	vmul.f32 $2.560000000e+02, v13;
	v5 =	vmul.f32 $2.560000000e+02, v5;
	v10 =	vadd.s32 v15, v10;
	v15 =	vld [tilespmem:s31+$0xFFFFFFB0]  }
0xbf: {  	v61 =	vand.u32 $0x1FFFFF8, v14;
	v13 =	vshrl.u32 v8, $0x4;
	v8 =	vand.u32 $0x7F, v8  }
0xc0: {  	v17 =	vand.u32 $0x8, v17;
	v11 =	vtrunc.f32 v11;
	v5 =	vtrunc.f32 v5  }
0xc1: {  	v10 =	vshll.u32 v10, $0x7;
	v11 =	vcvt.f32.s32 v11;
	v5 =	vcvt.f32.s32 v5  }
0xc2: {  	v4 =	vadd.s32 v4, v20;
	v2 =	vadd.s32 v2, v21;
	v9 =	vor.u32 v9, v10  }
0xc3: {  	v18 =	vshrl.u32 v11, $0x4;
	v10 =	vmul.f32 $2.560000000e+02, v15;
	v15 =	vand.u32 $0x1FFFFF8, v5  }
0xc4: {  	v14 =	vadd.s32 v14, v61;
	v18 =	vand.u32 $0x8, v18;
	v5 =	vadd.s32 v5, v15  }
0xc5: {  	v11 =	vand.u32 $0x7F, v11;
	v15 =	vld [tilespmem:s31+$0xFFFFFFE0];
	v2 =	vadd.s32 v18, v2;
	v5 =	vadd.s32 v17, v5  }
0xc6: {  	v10 =	vtrunc.f32 v10;
	v2 =	vshll.u32 v2, $0x7;
	v5 =	vshll.u32 v5, $0x7  }
0xc7: {  	v9 =	vld.idx.msk [tilespmem:v9+s4+$0x0], $0xffff;
	v10 =	vcvt.f32.s32 v10;
	v62 =	vor.u32 v3, v5;
	v3 =	vand.u32 $0x1FFFFF8, v60  }
0xc8: {  	v5 =	vand.u32 $0x8, v13;
	v13 =	vor.u32 v11, v2;
	v2 =	vadd.s32 v60, v3  }
0xc9: {  	v63 =	vand.u32 $0x7F, v10;
	v3 =	vshrl.u32 v10, $0x4;
	v2 =	vadd.s32 v5, v2  }
0xca: {  	v10 =	vmul.f32 $2.560000000e+02, v15;
	v11 =	vand.u32 $0x8, v3;
	v2 =	vshll.u32 v2, $0x7  }
0xcb: {  	v3 =	vand.u32 $0x8, v7;
	v7 =	vcvt.f32.s32 v16;
	v15 =	vor.u32 v8, v2  }
0xcc: {  	v5 =	vadd.f32 v9, v1;
	v1 =	vadd.s32 v3, v4;
	v3 =	vmul.f32 v9, v9  }
0xcd: {  	v4 =	vadd.s32 v11, v14;
	v11 =	vcvt.f32.s32 v6;
	v8 =	vcvt.f32.s32 v12  }
0xce: {  	v1 =	vshll.u32 v1, $0x7;
	v4 =	vshll.u32 v4, $0x7;
	v10 =	vtrunc.f32 v10;
	v6 =	vld.idx.msk [tilespmem:v13+s4+$0x0], $0xffff  }
0xcf: {  	v14 =	vshrl.u32 v7, $0x4;
	v2 =	vld.idx.msk [tilespmem:v62+s4+$0x0], $0xffff;
	v9 =	vor.u32 v63, v4;
	v1 =	vor.u32 v58, v1  }
0xd0: {  	s23 =	simm.s32 $0x0;
	s24 =	simm.s32 $0x14180;
	v10 =	vcvt.f32.s32 v10;
	v12 =	vand.u32 $0x1FFFFF8, v11;
	v13 =	vand.u32 $0x1FFFFF8, v8;
	v4 =	vld.idx.msk [tilespmem:v15+s4+$0x0], $0xffff  }
.LBB2_5:
0xd1: {  	v15 =	vld [tilespmem:s24+$0xFFFFFFA0];
	s23 =	sadd.s32 $0x8, s23;
	v14 =	vand.u32 $0x8, v14;
	v7 =	vand.u32 $0x7F, v7  }
0xd2: {  	v8 =	vadd.s32 v8, v13;
	v13 =	vshrl.u32 v10, $0x4;
	v11 =	vadd.s32 v11, v12;
	v16 =	vld [tilespmem:s24+$0x0];
	p1 =	slt.u32 s23, $0x1F8  }
0xd3: {  	v5 =	vadd.f32 v6, v5;
	v13 =	vand.u32 $0x8, v13;
	v11 =	vadd.s32 v14, v11;
	v12 =	vld [tilespmem:s24+$0x70]  }
0xd4: {  	v0 =	vadd.f32 v3, v0;
	v3 =	vmul.f32 v6, v6;
	v6 =	vadd.s32 v13, v8;
	v14 =	vld [tilespmem:s24+$0xFFFFFFF0]  }
0xd5: {  	v6 =	vshll.u32 v6, $0x7;
	v8 =	vld.idx.msk [tilespmem:v9+s4+$0x0], $0xffff;
	v9 =	vand.u32 $0x7F, v10;
	v10 =	vshll.u32 v11, $0x7  }
0xd6: {  	v0 =	vadd.f32 v3, v0;
	v11 =	vld.idx.msk [tilespmem:v1+s4+$0x0], $0xffff;
	v1 =	vor.u32 v9, v6;
	v6 =	vor.u32 v7, v10  }
0xd7: {  	v9 =	vmul.f32 v2, v2;
	v3 =	vmul.f32 $2.560000000e+02, v16;
	v7 =	vld [tilespmem:s24+$0x60]  }
0xd8: {  	v5 =	vadd.f32 v2, v5;
	v10 =	vld [tilespmem:s24+$0xFFFFFFC0]  }
0xd9: {  	v0 =	vadd.f32 v9, v0;
	v2 =	vtrunc.f32 v3;
	v13 =	vld [tilespmem:s24+$0xFFFFFFD0];
	v3 =	vmul.f32 $2.560000000e+02, v12  }
0xda: {  	v12 =	vmul.f32 $2.560000000e+02, v14;
	v9 =	vcvt.f32.s32 v2;
	v2 =	vld [tilespmem:s24+$0xFFFFFFE0]  }
0xdb: {  	v14 =	vmul.f32 v8, v8;
	v5 =	vadd.f32 v8, v5;
	v8 =	vld.idx.msk [tilespmem:v1+s4+$0x0], $0xffff  }
0xdc: {  	v1 =	vtrunc.f32 v3;
	v18 =	vmul.f32 v11, v11;
	v16 =	vld [tilespmem:s24+$0xFFFFFF80];
	v17 =	vand.u32 $0x1FFFFF8, v9  }
0xdd: {  	v3 =	vtrunc.f32 v12;
	v7 =	vmul.f32 $2.560000000e+02, v7;
	v5 =	vadd.f32 v11, v5;
	v19 =	vld [tilespmem:s24+$0x10]  }
0xde: {  	v0 =	vadd.f32 v14, v0;
	v9 =	vadd.s32 v9, v17;
	v11 =	vld [tilespmem:s24+$0x20];
	v12 =	vmul.f32 $2.560000000e+02, v13  }
0xdf: {  	v10 =	vmul.f32 $2.560000000e+02, v10;
	v7 =	vtrunc.f32 v7;
	v5 =	vadd.f32 v4, v5;
	v6 =	vld.idx.msk [tilespmem:v6+s4+$0x0], $0xffff  }
0xe0: {  	v0 =	vadd.f32 v18, v0;
	v4 =	vmul.f32 v4, v4;
	v13 =	vld [tilespmem:s24+$0x40];
	v12 =	vtrunc.f32 v12  }
0xe1: {  	v15 =	vmul.f32 $2.560000000e+02, v15;
	v17 =	vmul.f32 v8, v8;
	v5 =	vadd.f32 v8, v5;
	v14 =	vld [tilespmem:s24+$0xFFFFFF90]  }
0xe2: {  	v0 =	vadd.f32 v4, v0;
	v8 =	vmul.f32 $2.560000000e+02, v16;
	v12 =	vcvt.f32.s32 v12  }
0xe3: {  	v10 =	vtrunc.f32 v10;
	v4 =	vtrunc.f32 v15  }
0xe4: {  	v0 =	vadd.f32 v17, v0;
	v8 =	vtrunc.f32 v8;
	v15 =	vshrl.u32 v12, $0x4  }
0xe5: {  	v16 =	vmul.f32 $2.560000000e+02, v19;
	v17 =	vmul.f32 v6, v6;
	v5 =	vadd.f32 v6, v5  }
0xe6: {  	v11 =	vmul.f32 $2.560000000e+02, v11;
	v6 =	vmul.f32 $2.560000000e+02, v14  }
0xe7: {  	v8 =	vcvt.f32.s32 v8;
	v13 =	vmul.f32 $2.560000000e+02, v13;
	v0 =	vadd.f32 v17, v0  }
0xe8: {  	v10 =	vcvt.f32.s32 v10;
	v12 =	vand.u32 $0x7F, v12;
	v14 =	vtrunc.f32 v16;
	v16 =	vld [tilespmem:s24+$0x30]  }
0xe9: {  	v11 =	vtrunc.f32 v11;
	v17 =	vshrl.u32 v8, $0x4;
	v6 =	vtrunc.f32 v6  }
0xea: {  	v4 =	vcvt.f32.s32 v4;
	v17 =	vand.u32 $0x8, v17;
	v13 =	vtrunc.f32 v13  }
0xeb: {  	v9 =	vadd.s32 v17, v9;
	v13 =	vcvt.f32.s32 v13;
	v6 =	vcvt.f32.s32 v6;
	v17 =	vld [tilespmem:s24+$0xFFFFFFB0]  }
0xec: {  	v18 =	vshrl.u32 v4, $0x4;
	v8 =	vand.u32 $0x7F, v8;
	v11 =	vcvt.f32.s32 v11  }
0xed: {  	v18 =	vand.u32 $0x8, v18;
	v19 =	vshrl.u32 v6, $0x4;
	v16 =	vmul.f32 $2.560000000e+02, v16;
	v20 =	vld [tilespmem:s24+$0x50]  }
0xee: {  	v14 =	vcvt.f32.s32 v14;
	v9 =	vshll.u32 v9, $0x7;
	v19 =	vand.u32 $0x8, v19  }
0xef: {  	v4 =	vand.u32 $0x7F, v4;
	v21 =	vand.u32 $0x1FFFFF8, v13;
	v6 =	vand.u32 $0x7F, v6  }
0xf0: {  	v8 =	vor.u32 v8, v9;
	v13 =	vadd.s32 v13, v21;
	v9 =	vmul.f32 $2.560000000e+02, v17  }
0xf1: {  	v21 =	vand.u32 $0x7F, v10;
	v16 =	vtrunc.f32 v16;
	v17 =	vand.u32 $0x1FFFFF8, v11  }
0xf2: {  	v22 =	vand.u32 $0x1FFFFF8, v14;
	v9 =	vtrunc.f32 v9;
	v20 =	vmul.f32 $2.560000000e+02, v20  }
0xf3: {  	v14 =	vadd.s32 v14, v22;
	v16 =	vcvt.f32.s32 v16;
	v11 =	vadd.s32 v11, v17  }
0xf4: {  	v14 =	vadd.s32 v19, v14;
	v9 =	vcvt.f32.s32 v9;
	v17 =	vtrunc.f32 v20  }
0xf5: {  	v10 =	vshrl.u32 v10, $0x4;
	v11 =	vadd.s32 v18, v11;
	v17 =	vcvt.f32.s32 v17  }
0xf6: {  	v11 =	vshll.u32 v11, $0x7;
	v18 =	vld.idx.msk [tilespmem:v8+s4+$0x0], $0xffff;
	v8 =	vshll.u32 v14, $0x7;
	v14 =	vand.u32 $0x1FFFFF8, v16  }
0xf7: {  	v15 =	vand.u32 $0x8, v15;
	v4 =	vor.u32 v4, v11;
	v11 =	vand.u32 $0x1FFFFF8, v17  }
0xf8: {  	v19 =	vand.u32 $0x7F, v9;
	v6 =	vor.u32 v6, v8;
	v8 =	vadd.s32 v17, v11  }
0xf9: {  	v9 =	vshrl.u32 v9, $0x4;
	v11 =	vmul.f32 $2.560000000e+02, v2;
	v8 =	vadd.s32 v15, v8  }
0xfa: {  	v10 =	vand.u32 $0x8, v10;
	v9 =	vand.u32 $0x8, v9;
	v2 =	vshll.u32 v8, $0x7  }
0xfb: {  	v14 =	vadd.s32 v16, v14;
	v8 =	vcvt.f32.s32 v7;
	v12 =	vor.u32 v12, v2  }
.Ltmp3:
0xfc: {  	v7 =	vcvt.f32.s32 v3;
	v5 =	vadd.f32 v18, v5;
	v2 =	vld.idx.msk [tilespmem:v4+s4+$0x0], $0xffff;
	v4 =	vadd.s32 v10, v13;
	(pc) =	sbr.rel @p1 .LBB2_5-.Ltmp3, $4  }
0xfd: {  	v9 =	vadd.s32 v9, v14;
	v3 =	vmul.f32 v18, v18;
	v6 =	vld.idx.msk [tilespmem:v6+s4+$0x0], $0xffff;
	v4 =	vshll.u32 v4, $0x7  }
0xfe: {  	v9 =	vshll.u32 v9, $0x7;
	v10 =	vtrunc.f32 v11;
	v11 =	vcvt.f32.s32 v1  }
0xff: {  	v9 =	vor.u32 v19, v9;
	v10 =	vcvt.f32.s32 v10;
	v1 =	vor.u32 v21, v4  }
0x100: {  	s24 =	sadd.s32 $0x100, s24;
	v13 =	vand.u32 $0x1FFFFF8, v8;
	v14 =	vshrl.u32 v7, $0x4;
	v4 =	vld.idx.msk [tilespmem:v12+s4+$0x0], $0xffff;
	v12 =	vand.u32 $0x1FFFFF8, v11  }
0x101: {  	_ = 	snop  }
0x102: {  	v15 =	vshrl.u32 v10, $0x4  }
0x103: {  	v8 =	vadd.s32 v8, v13;
	v56 =	vand.u32 $0x8, v15  }
0x104: {  	v14 =	vand.u32 $0x8, v14;
	v11 =	vadd.s32 v11, v12;
	v8 =	vadd.s32 v56, v8  }
0x105: {  	v9 =	vld.idx.msk [tilespmem:v9+s4+$0x0], $0xffff;
	v57 =	vand.u32 $0x7F, v10;
	v0 =	vadd.f32 v3, v0;
	v8 =	vshll.u32 v8, $0x7  }
0x106: {  	v11 =	vadd.s32 v14, v11;
	v3 =	vmul.f32 v6, v6;
	v8 =	vor.u32 v57, v8  }
0x107: {  	v7 =	vand.u32 $0x7F, v7;
	v1 =	vld.idx.msk [tilespmem:v1+s4+$0x0], $0xffff;
	v59 =	vmul.f32 v2, v2;
	v58 =	vshll.u32 v11, $0x7  }
0x108: {  	v5 =	vadd.f32 v6, v5;
	v0 =	vadd.f32 v3, v0;
	v3 =	vor.u32 v7, v58;
	_ =	sdelay $0x1  }
0x109: {  	v2 =	vadd.f32 v2, v5;
	v0 =	vadd.f32 v59, v0;
	v60 =	vmul.f32 v9, v9  }
0x10a: {  	v61 =	vld.idx.msk [tilespmem:v8+s4+$0x0], $0xffff  }
0x10b: {  	v2 =	vadd.f32 v9, v2;
	v62 =	vmul.f32 v1, v1;
	v0 =	vadd.f32 v60, v0  }
0x10c: {  	v3 =	vld.idx.msk [tilespmem:v3+s4+$0x0], $0xffff  }
0x10d: {  	v1 =	vadd.f32 v1, v2;
	v2 =	vmul.f32 v4, v4;
	v0 =	vadd.f32 v62, v0;
	_ =	sdelay $0x1  }
0x10e: {  	v1 =	vadd.f32 v4, v1;
	v0 =	vadd.f32 v2, v0;
	v63 =	vmul.f32 v61, v61  }
.Ltmp4:
0x10f: {  	_ = 	snop;
	(pc) =	sbr.rel @p0 .LBB2_8-.Ltmp4, $2  }
0x110: {  	v2 =	vmul.f32 v3, v3;
	v1 =	vadd.f32 v61, v1;
	v0 =	vadd.f32 v63, v0;
	_ =	sdelay $0x1  }
0x111: {  	v1 =	vadd.f32 v3, v1;
	v0 =	vadd.f32 v2, v0;
	_ =	sdelay $0x1  }
0x112: {  	s22 =	sshll.u32 s22, $0xD  }
0x113: {  	s22 =	sand.u32 $0x1FFFE000, s22  }
0x114: {  	s22 =	sadd.s32 s2, s22  }
.Ltmp5:
0x115: {  	s23 =	sadd.s32 $0x4000, s22;
	(pc) =	sbr.rel .LBB2_2-.Ltmp5, $4  }
0x116: {  	[tilespmem:s4], [sflag:$0x1] =	stream.linear.gather [hbm4b:s23+s4], $0x8000, $0x38;
	[tilespmem:$0x18080] =	vst v63  }
0x117: {  	s22 =	sadd.s32 $0x5000, s22  }
0x118: {  	[tilespmem:s13], [sflag:$0x2] =	stream.linear.gather [hbm4b:s22+s4], $0x8000, $0x38;
	[tilespmem:$0x18080] =	vst v63  }
0x119: {  	p0 =	por $0x1, $0x1;
	s22 =	simm.s32 $0x2  }
.LBB2_9:
0x11a: {  	_ =	sfence.sel $0x180000  }
0x11b: {  	[bflag:$0x0] =	sbarrier.arrive $0xFFFF  }
0x11c: {  	p0 =	sne.s32 s3, $0x0;
	_ =	strace $0x90000047  }
0x11d: {  	s0 =	sadd.s32 @!p0 $0x100000, s0;
	[bflag:$0x2] =	sbarrier.arrive $0xFFFF  }
0x11e: {  	[sflag:s0] =	ssyncadd.tile.s32 @!p0 $0x1;
	_ =	shalt  }
.Lfunc_end2:
_tile_overlayer_lowered:
.L_overlay_start_2:
0x11f: {  	(tag) =	ssettag $0x2  }
0x120: {  	s0 =	rddreg [dreg:$0x0];
	s2 =	stileid.u32  }
0x121: {  	s1 =	rddreg [dreg:$0x1];
	p0 =	sne.s32 s2, $0x0  }
0x122: {  	s3 =	rddreg [dreg:$0x2];
	[bflag:$0x3] =	sbarrier.arrive $0xFFFF;
	s2 =	simm.s32 @!p0 $0x1C04  }
0x123: {  	[timem:s3], [sflag:s2] =	dma.local @!p0 [hbm:s0], s1  }
0x124: {  	s0 =	simm.s32 @!p0 $0x4  }
0x125: {  	_ =	swait.ge @!p0 [sflag:s0], s1  }
0x126: {  	s1 =	ssub.s32 @!p0 $0x0, s1;
	[sflag:s0] =	ssyncset.done @!p0 $0x0  }
0x127: {  	[sflag:s0] =	ssyncadd.s32 @!p0 s1  }
0x128: {  	[bflag:$0x3] =	sbarrier.arrive $0xFFFF  }
0x129: {  	_ =	shalt  }

</sc_bundles>
